<compile_context>
chip_gen: v7x
topology: tpu7x:2x2x1
jax: 0.10.2.dev20260603
libtpu: 0.0.44.dev20260713+nightly
codegen_flags: <defaults>
</compile_context>

<pallas_src>
import functools

import jax
import jax.numpy as jnp
from jax import lax
from jax.experimental import pallas as pl
from jax.experimental.pallas import tpu as pltpu
from jax.experimental.pallas import tpu_sc as plsc

N_NODES = 10000
N_PAD = 10240
N_EDGES = 320000
SUB = 32
NW = 32
CHUNK = 128
K_CHUNKS = 80
E_PER_W = K_CHUNKS * CHUNK
E_PAD = NW * E_PER_W
SLAB = N_PAD // 16
NBUF = 8
DIST = 4

_MESH = plsc.VectorSubcoreMesh(core_axis_name="c", subcore_axis_name="s")
_SC_PARAMS = pltpu.CompilerParams(use_tc_tiling_on_sc=False)


@functools.partial(
    pl.kernel,
    out_type=jax.ShapeDtypeStruct((2, N_PAD), jnp.float32),
    mesh=_MESH,
    scratch_types=[
        pltpu.VMEM((K_CHUNKS, CHUNK), jnp.int32),
        pltpu.VMEM((CHUNK,), jnp.float32),
        pltpu.VMEM((SLAB,), jnp.float32),
        pltpu.VMEM_SHARED((N_PAD,), jnp.float32),
        pltpu.SemaphoreType.DMA,
    ],
    compiler_params=_SC_PARAMS,
)
def _deg_kernel(dst_hbm, out_hbm, idx_v, ones_v, zeros_v, deg_sh, sem):
    cid = lax.axis_index("c")
    sid = lax.axis_index("s")
    w = cid * 16 + sid

    pltpu.sync_copy(dst_hbm.at[w], idx_v)

    def fill(i, _):
        zeros_v[pl.ds(i * 16, 16)] = jnp.zeros((16,), jnp.float32)
        return 0
    lax.fori_loop(0, SLAB // 16, fill, 0)

    def fill1(i, _):
        ones_v[pl.ds(i * 16, 16)] = jnp.ones((16,), jnp.float32)
        return 0
    lax.fori_loop(0, CHUNK // 16, fill1, 0)

    pltpu.sync_copy(zeros_v, deg_sh.at[pl.ds(sid * SLAB, SLAB)])
    plsc.subcore_barrier()

    def body(g, _):
        for k in range(8):
            pltpu.async_copy(ones_v, deg_sh.at[idx_v.at[g * 8 + k]], sem,
                             add=True)
        for k in range(8):
            pltpu.make_async_copy(ones_v, deg_sh.at[idx_v.at[0]], sem).wait()
        return 0
    lax.fori_loop(0, K_CHUNKS // 8, body, 0)

    plsc.subcore_barrier()
    pltpu.sync_copy(deg_sh.at[pl.ds(sid * SLAB, SLAB)],
                    out_hbm.at[cid, pl.ds(sid * SLAB, SLAB)])


@functools.partial(
    pl.kernel,
    out_type=jax.ShapeDtypeStruct((2, N_PAD, SUB), jnp.float32),
    mesh=_MESH,
    scratch_types=(
        [pltpu.VMEM((K_CHUNKS, CHUNK), jnp.int32)] * 2
        + [pltpu.VMEM((CHUNK, SUB), jnp.float32)] * NBUF
        + [pltpu.VMEM((64, SUB), jnp.float32)]
        + [pltpu.VMEM_SHARED((N_PAD, SUB), jnp.float32)]
        + [pltpu.VMEM_SHARED((N_PAD, SUB), jnp.float32)]
        + [pltpu.SemaphoreType.DMA] * (2 * NBUF)
    ),
    compiler_params=_SC_PARAMS,
)
def _scatter_kernel(src_hbm, dst_hbm, u_hbm, out_hbm, *scratch):
    src_v, dst_v = scratch[0], scratch[1]
    rows = scratch[2:2 + NBUF]
    zb_v = scratch[2 + NBUF]
    z_sh = scratch[3 + NBUF]
    u_sh = scratch[4 + NBUF]
    gsem = scratch[5 + NBUF:5 + 2 * NBUF]
    ssem = scratch[5 + 2 * NBUF:5 + 3 * NBUF]

    cid = lax.axis_index("c")
    sid = lax.axis_index("s")
    w = cid * 16 + sid

    pltpu.sync_copy(src_hbm.at[w], src_v)
    pltpu.sync_copy(dst_hbm.at[w], dst_v)
    pltpu.sync_copy(u_hbm.at[pl.ds(sid * SLAB, SLAB)],
                    u_sh.at[pl.ds(sid * SLAB, SLAB)])

    def fill(i, _):
        zb_v[i, pl.ds(0, 16)] = jnp.zeros((16,), jnp.float32)
        zb_v[i, pl.ds(16, 16)] = jnp.zeros((16,), jnp.float32)
        return 0
    lax.fori_loop(0, 64, fill, 0)

    def zslab(i, _):
        pltpu.sync_copy(zb_v, z_sh.at[pl.ds(sid * SLAB + i * 64, 64)])
        return 0
    lax.fori_loop(0, SLAB // 64, zslab, 0)
    plsc.subcore_barrier()

    for b in range(DIST):
        pltpu.async_copy(u_sh.at[src_v.at[b]], rows[b], gsem[b])

    def body(i, _):
        for b in range(NBUF):
            j = i * NBUF + b
            pltpu.make_async_copy(u_sh.at[src_v.at[j]], rows[b],
                                  gsem[b]).wait()
            pltpu.async_copy(rows[b], z_sh.at[dst_v.at[j]], ssem[b], add=True)
            m = j + DIST
            bn = (b + DIST) % NBUF

            @pl.when(jnp.logical_and(m >= NBUF, m < K_CHUNKS))
            def _():
                pltpu.make_async_copy(rows[bn], z_sh.at[dst_v.at[0]],
                                      ssem[bn]).wait()

            @pl.when(m < K_CHUNKS)
            def _():
                pltpu.async_copy(u_sh.at[src_v.at[m]], rows[bn], gsem[bn])
        return 0
    lax.fori_loop(0, K_CHUNKS // NBUF, body, 0)

    for b in range(NBUF):
        pltpu.make_async_copy(rows[b], z_sh.at[dst_v.at[0]], ssem[b]).wait()

    plsc.subcore_barrier()
    pltpu.sync_copy(z_sh.at[pl.ds(sid * SLAB, SLAB)],
                    out_hbm.at[cid, pl.ds(sid * SLAB, SLAB)])


def _tc1_body(deg2_ref, xs_ref, u_ref):
    deg = deg2_ref[0] + deg2_ref[1] + 1.0
    dinv = lax.rsqrt(deg)
    u_ref[...] = xs_ref[...] * dinv[:, None]


def _tc1(deg2, xs_pad):
    return pl.pallas_call(
        _tc1_body,
        out_shape=jax.ShapeDtypeStruct((N_PAD, SUB), jnp.float32),
    )(deg2, xs_pad)


def _tc2_body(deg2_ref, z2_ref, u_ref, w_ref, b_ref, out_ref):
    deg = deg2_ref[0] + deg2_ref[1] + 1.0
    dinv = lax.rsqrt(deg)[:, None]
    pre = dinv * (z2_ref[0] + z2_ref[1] + u_ref[...])
    h = jnp.dot(pre, w_ref[...], preferred_element_type=jnp.float32)
    out_ref[...] = jnp.maximum(h + b_ref[...], 0.0)


def _tc2(deg2, z2, u, wcat, bcat):
    return pl.pallas_call(
        _tc2_body,
        out_shape=jax.ShapeDtypeStruct((N_PAD, 4 * SUB), jnp.float32),
    )(deg2, z2, u, wcat, bcat)


@jax.jit
def kernel(x, edge_index, W, b):
    src = edge_index[0]
    dst = edge_index[1]
    pad = E_PAD - N_EDGES
    fill = jnp.full((pad,), N_NODES, jnp.int32)
    src_r = jnp.concatenate([src, fill]).reshape(NW, K_CHUNKS, CHUNK)
    dst_r = jnp.concatenate([dst, fill]).reshape(NW, K_CHUNKS, CHUNK)

    xs_pad = jnp.pad(x[:, :SUB], ((0, N_PAD - N_NODES), (0, 0)))

    deg2 = _deg_kernel(dst_r)
    u = _tc1(deg2, xs_pad)
    z2 = _scatter_kernel(src_r, dst_r, u)
    wcat = jnp.transpose(W, (1, 0, 2)).reshape(SUB, 4 * SUB)
    bcat = b.reshape(1, 4 * SUB)
    out = _tc2(deg2, z2, u, wcat, bcat)

    x_out = out[:N_NODES]
    heads = tuple(x_out[:, i * SUB:(i + 1) * SUB] for i in range(4))
    return (x_out,) + heads

# --- scband reference (transcript-rebuilt; emitter-appended) ---
"""Pipeline reference for scband-magpool-gcnlayer-39865886442007 (READ-ONLY COPY).

The authoritative reference and input builder live on the scoring server;
editing this copy changes nothing except your own understanding.
"""

import jax, jax.numpy as jnp
import numpy as np

N_NODES = 10000
N_EDGES = 320000
INPUT_DIM = 128
HIDDEN_DIM = 128
HEAD_NUM = 4
SUB_DIMS = [32, 32, 32, 32]  # generate_sub_head_nums(128, 4): even split
SUB_HID = HIDDEN_DIM // HEAD_NUM  # 32


def gcn_conv(x_sub, W, b, src, dst):
    # Faithful PyG GCNConv: add self-loops, D^{-1/2}(A+I)D^{-1/2} X W + bias
    n = x_sub.shape[0]
    loop = jnp.arange(n, dtype=src.dtype)
    src2 = jnp.concatenate([src, loop])
    dst2 = jnp.concatenate([dst, loop])
    xw = x_sub @ W
    deg = jnp.zeros((n,), dtype=xw.dtype).at[dst2].add(1.0)
    dinv = jnp.where(deg > 0, jax.lax.rsqrt(jnp.maximum(deg, 1e-12)), 0.0)
    norm = dinv[src2] * dinv[dst2]
    msg = xw[src2] * norm[:, None]
    out = jnp.zeros((n, xw.shape[1]), dtype=xw.dtype).at[dst2].add(msg)
    return out + b


def setup_inputs(seed: int = 0) -> dict:
    key = jax.random.key(seed)
    k1, k2, k3 = jax.random.split(key, 3)
    x = jax.random.normal(k1, (N_NODES, INPUT_DIM), dtype=jnp.float32)
    edge_index = jax.random.randint(k2, (2, N_EDGES), 0, N_NODES, dtype=jnp.int32)
    # Per-head GCN weights (all sub_dims equal so we stack): W[i]: [sub_dim, sub_hid]
    glorot = np.sqrt(6.0 / (SUB_DIMS[0] + SUB_HID))
    W = jax.random.uniform(k3, (HEAD_NUM, SUB_DIMS[0], SUB_HID),
                           minval=-glorot, maxval=glorot, dtype=jnp.float32)
    b = jnp.zeros((HEAD_NUM, SUB_HID), dtype=jnp.float32)
    return {"x": x, "edge_index": edge_index, "W": W, "b": b}


def reference(x, edge_index, W, b):
    src = edge_index[0]
    dst = edge_index[1]
    # Faithful to the original forward: `start` is never incremented in the
    # slicing loop, so every head reads x[:, 0:sub_dim].
    start = 0
    sub_xs = []
    for sub_dim in SUB_DIMS:
        sub_xs.append(x[:, start:start + sub_dim])
    sub_xs_out = []
    for i in range(HEAD_NUM):
        h = gcn_conv(sub_xs[i], W[i], b[i], src, dst)
        sub_xs_out.append(jax.nn.relu(h))
    x_out = jnp.concatenate(sub_xs_out, axis=-1)
    return (x_out,) + tuple(sub_xs_out)

if __name__ == "__main__":
    import jax
    _d = setup_inputs()
    print(jax.jit(kernel)(*tuple(_d.values())))

</pallas_src>

<mosaic_0001>
#map = affine_map<(d0, d1) -> (0, 0, 0)>
#map1 = affine_map<(d0, d1) -> (0, 0)>
module attributes {stable_mosaic.version = 14 : i64} {
  func.func @_deg_kernel(%arg0: i32, %arg1: i32, %arg2: memref<32x80x128xi32, #tpu.memory_space<hbm>>, %arg3: memref<2x10240xf32, #tpu.memory_space<hbm>>, %arg4: memref<80x128xi32, #tpu.memory_space<vmem>>, %arg5: memref<128xf32, #tpu.memory_space<vmem>>, %arg6: memref<640xf32, #tpu.memory_space<vmem>>, %arg7: memref<10240xf32, #tpu.memory_space<vmem_shared>>, %arg8: memref<!tpu.dma_semaphore, #tpu.memory_space<semaphore_mem>>) attributes {dimension_semantics = [#tpu.dimension_semantics<core_parallel>, #tpu.dimension_semantics<subcore_parallel>], iteration_bounds = array<i64: 2, 16>, scalar_prefetch = 0 : i64, scratch_operands = 5 : i64, tpu.core_type = #tpu.core_type<sc_vector_subcore>, window_params = [{transform_indices = #map}, {transform_indices = #map1}]} {
    %mul3A = arith.constant 16 : i32
    %mul3A_0 = arith.muli %arg0, %mul3A : i32
    %add3A = arith.addi %mul3A_0, %arg1 : i32
    "tpu.region"() ({
      %run_scoped3A = tpu.sem_alloc : memref<!tpu.dma_semaphore, #tpu.memory_space<semaphore_mem>>
      %dma_start3A = arith.constant 0 : i32
      %dma_start3A_28 = arith.constant 0 : i32
      %dma_start3A_29 = tpu.memref_slice %arg2[%add3A, %dma_start3A, %dma_start3A_28] : memref<32x80x128xi32, #tpu.memory_space<hbm>> -> memref<1x80x128xi32, #tpu.memory_space<hbm>>
      %dma_start3A_30 = tpu.memref_squeeze %dma_start3A_29 : memref<1x80x128xi32, #tpu.memory_space<hbm>> -> memref<80x128xi32, #tpu.memory_space<hbm>>
      %dma_start3A_31 = arith.constant 0 : i32
      %dma_start3A_32 = arith.constant 0 : i32
      %dma_start3A_33 = tpu.memref_slice %arg2[%add3A, %dma_start3A_31, %dma_start3A_32] : memref<32x80x128xi32, #tpu.memory_space<hbm>> -> memref<1x80x128xi32, #tpu.memory_space<hbm>>
      %dma_start3A_34 = tpu.memref_squeeze %dma_start3A_33 : memref<1x80x128xi32, #tpu.memory_space<hbm>> -> memref<80x128xi32, #tpu.memory_space<hbm>>
      tpu.enqueue_dma source(%dma_start3A_34 : memref<80x128xi32, #tpu.memory_space<hbm>>) target(%arg4 : memref<80x128xi32, #tpu.memory_space<vmem>>) target_semaphore(%run_scoped3A : memref<!tpu.dma_semaphore, #tpu.memory_space<semaphore_mem>>)
      %dma_wait3A = arith.constant 0 : i32
      %dma_wait3A_35 = arith.constant 0 : i32
      %dma_wait3A_36 = tpu.memref_slice %arg2[%add3A, %dma_wait3A, %dma_wait3A_35] : memref<32x80x128xi32, #tpu.memory_space<hbm>> -> memref<1x80x128xi32, #tpu.memory_space<hbm>>
      %dma_wait3A_37 = tpu.memref_squeeze %dma_wait3A_36 : memref<1x80x128xi32, #tpu.memory_space<hbm>> -> memref<80x128xi32, #tpu.memory_space<hbm>>
      %dma_wait3A_38 = arith.constant 0 : i32
      %dma_wait3A_39 = arith.constant 0 : i32
      %dma_wait3A_40 = tpu.memref_slice %arg2[%add3A, %dma_wait3A_38, %dma_wait3A_39] : memref<32x80x128xi32, #tpu.memory_space<hbm>> -> memref<1x80x128xi32, #tpu.memory_space<hbm>>
      %dma_wait3A_41 = tpu.memref_squeeze %dma_wait3A_40 : memref<1x80x128xi32, #tpu.memory_space<hbm>> -> memref<80x128xi32, #tpu.memory_space<hbm>>
      tpu.wait_dma2 semaphore(%run_scoped3A : memref<!tpu.dma_semaphore, #tpu.memory_space<semaphore_mem>>) src(%dma_wait3A_41 : memref<80x128xi32, #tpu.memory_space<hbm>>) dst(%arg4 : memref<80x128xi32, #tpu.memory_space<vmem>>)
      tpu.yield
    }) : () -> ()
    %scan3A = arith.constant 0 : i32
    %scan3A_1 = arith.constant 0 : i32
    %scan3A_2 = arith.constant 40 : i32
    %scan3A_3 = arith.addi %scan3A_1, %scan3A_2 : i32
    %scan3A_4 = arith.constant 1 : i32
    %scan3A_5 = scf.for %scan3A_28 = %scan3A_1 to %scan3A_3 step %scan3A_4 iter_args(%scan3A_29 = %scan3A) -> (i32)  : i32 {
      %broadcast_in_dim3A = arith.constant 0.000000e+00 : f32
      %broadcast_in_dim3A_30 = vector.broadcast %broadcast_in_dim3A : f32 to vector<16xf32>
      %mul3A_31 = arith.constant 16 : i32
      %mul3A_32 = arith.muli %scan3A_28, %mul3A_31 : i32
      %swap3A = arith.index_cast %mul3A_32 : i32 to index
      %swap3A_33 = tpu.vector_load %arg6[%swap3A] {strides = array<i32>} : memref<640xf32, #tpu.memory_space<vmem>>, vector<16xf32>,
      %swap3A_34 = vector.shape_cast %swap3A_33 : vector<16xf32> to vector<16xf32>
      %swap3A_35 = vector.shape_cast %broadcast_in_dim3A_30 : vector<16xf32> to vector<16xf32>
      tpu.vector_store %arg6[%swap3A], %swap3A_35 {strides = array<i32>} : memref<640xf32, #tpu.memory_space<vmem>>, vector<16xf32>,
      %scan3A_36 = arith.constant 0 : i32
      scf.yield %scan3A_36 : i32
    }
    %scan3A_6 = arith.constant 40 : i32
    %scan3A_7 = arith.constant 0 : i32
    %scan3A_8 = arith.constant 0 : i32
    %scan3A_9 = arith.constant 8 : i32
    %scan3A_10 = arith.addi %scan3A_8, %scan3A_9 : i32
    %scan3A_11 = arith.constant 1 : i32
    %scan3A_12 = scf.for %scan3A_28 = %scan3A_8 to %scan3A_10 step %scan3A_11 iter_args(%scan3A_29 = %scan3A_7) -> (i32)  : i32 {
      %broadcast_in_dim3A = arith.constant 1.000000e+00 : f32
      %broadcast_in_dim3A_30 = vector.broadcast %broadcast_in_dim3A : f32 to vector<16xf32>
      %mul3A_31 = arith.constant 16 : i32
      %mul3A_32 = arith.muli %scan3A_28, %mul3A_31 : i32
      %swap3A = arith.index_cast %mul3A_32 : i32 to index
      %swap3A_33 = tpu.vector_load %arg5[%swap3A] {strides = array<i32>} : memref<128xf32, #tpu.memory_space<vmem>>, vector<16xf32>,
      %swap3A_34 = vector.shape_cast %swap3A_33 : vector<16xf32> to vector<16xf32>
      %swap3A_35 = vector.shape_cast %broadcast_in_dim3A_30 : vector<16xf32> to vector<16xf32>
      tpu.vector_store %arg5[%swap3A], %swap3A_35 {strides = array<i32>} : memref<128xf32, #tpu.memory_space<vmem>>, vector<16xf32>,
      %scan3A_36 = arith.constant 0 : i32
      scf.yield %scan3A_36 : i32
    }
    %scan3A_13 = arith.constant 8 : i32
    %mul3A_14 = arith.constant 640 : i32
    %mul3A_15 = arith.muli %arg1, %mul3A_14 : i32
    "tpu.region"() ({
      %run_scoped3A = tpu.sem_alloc : memref<!tpu.dma_semaphore, #tpu.memory_space<semaphore_mem>>
      %dma_start3A = tpu.memref_slice %arg7[%mul3A_15] : memref<10240xf32, #tpu.memory_space<vmem_shared>> -> memref<640xf32, #tpu.memory_space<vmem_shared>>
      %dma_start3A_28 = tpu.memref_slice %arg7[%mul3A_15] : memref<10240xf32, #tpu.memory_space<vmem_shared>> -> memref<640xf32, #tpu.memory_space<vmem_shared>>
      tpu.enqueue_dma source(%arg6 : memref<640xf32, #tpu.memory_space<vmem>>) target(%dma_start3A_28 : memref<640xf32, #tpu.memory_space<vmem_shared>>) target_semaphore(%run_scoped3A : memref<!tpu.dma_semaphore, #tpu.memory_space<semaphore_mem>>)
      %dma_wait3A = tpu.memref_slice %arg7[%mul3A_15] : memref<10240xf32, #tpu.memory_space<vmem_shared>> -> memref<640xf32, #tpu.memory_space<vmem_shared>>
      %dma_wait3A_29 = tpu.memref_slice %arg7[%mul3A_15] : memref<10240xf32, #tpu.memory_space<vmem_shared>> -> memref<640xf32, #tpu.memory_space<vmem_shared>>
      tpu.wait_dma2 semaphore(%run_scoped3A : memref<!tpu.dma_semaphore, #tpu.memory_space<semaphore_mem>>) src(%arg6 : memref<640xf32, #tpu.memory_space<vmem>>) dst(%dma_wait3A_29 : memref<640xf32, #tpu.memory_space<vmem_shared>>)
      tpu.yield
    }) : () -> ()
    %barrier3A = arith.constant 0 : index
    tpu.barrier barrier_id(%barrier3A)
    %scan3A_16 = arith.constant 0 : i32
    %scan3A_17 = arith.constant 0 : i32
    %scan3A_18 = arith.constant 10 : i32
    %scan3A_19 = arith.addi %scan3A_17, %scan3A_18 : i32
    %scan3A_20 = arith.constant 1 : i32
    %scan3A_21 = scf.for %scan3A_28 = %scan3A_17 to %scan3A_19 step %scan3A_20 iter_args(%scan3A_29 = %scan3A_16) -> (i32)  : i32 {
      %mul3A_30 = arith.constant 8 : i32
      %mul3A_31 = arith.muli %scan3A_28, %mul3A_30 : i32
      %add3A_32 = arith.constant 0 : i32
      %add3A_33 = arith.addi %mul3A_31, %add3A_32 : i32
      %dma_start3A = arith.constant 0 : i32
      %dma_start3A_34 = tpu.memref_slice %arg4[%add3A_33, %dma_start3A] : memref<80x128xi32, #tpu.memory_space<vmem>> -> memref<1x128xi32, #tpu.memory_space<vmem>>
      %dma_start3A_35 = tpu.memref_squeeze %dma_start3A_34 : memref<1x128xi32, #tpu.memory_space<vmem>> -> memref<128xi32, #tpu.memory_space<vmem>>
      %dma_start3A_36 = arith.constant 0 : i32
      %dma_start3A_37 = tpu.memref_slice %arg7[%dma_start3A_36] : memref<10240xf32, #tpu.memory_space<vmem_shared>> -> memref<10240xf32, #tpu.memory_space<vmem_shared>>
      tpu.enqueue_indirect_dma source(%arg5 : memref<128xf32, #tpu.memory_space<vmem>>) target(%dma_start3A_37 : memref<10240xf32, #tpu.memory_space<vmem_shared>>) offsets(%dma_start3A_35 : memref<128xi32, #tpu.memory_space<vmem>>) semaphore(%arg8 : memref<!tpu.dma_semaphore, #tpu.memory_space<semaphore_mem>>) {add = true}
      %mul3A_38 = arith.constant 8 : i32
      %mul3A_39 = arith.muli %scan3A_28, %mul3A_38 : i32
      %add3A_40 = arith.constant 1 : i32
      %add3A_41 = arith.addi %mul3A_39, %add3A_40 : i32
      %dma_start3A_42 = arith.constant 0 : i32
      %dma_start3A_43 = tpu.memref_slice %arg4[%add3A_41, %dma_start3A_42] : memref<80x128xi32, #tpu.memory_space<vmem>> -> memref<1x128xi32, #tpu.memory_space<vmem>>
      %dma_start3A_44 = tpu.memref_squeeze %dma_start3A_43 : memref<1x128xi32, #tpu.memory_space<vmem>> -> memref<128xi32, #tpu.memory_space<vmem>>
      %dma_start3A_45 = arith.constant 0 : i32
      %dma_start3A_46 = tpu.memref_slice %arg7[%dma_start3A_45] : memref<10240xf32, #tpu.memory_space<vmem_shared>> -> memref<10240xf32, #tpu.memory_space<vmem_shared>>
      tpu.enqueue_indirect_dma source(%arg5 : memref<128xf32, #tpu.memory_space<vmem>>) target(%dma_start3A_46 : memref<10240xf32, #tpu.memory_space<vmem_shared>>) offsets(%dma_start3A_44 : memref<128xi32, #tpu.memory_space<vmem>>) semaphore(%arg8 : memref<!tpu.dma_semaphore, #tpu.memory_space<semaphore_mem>>) {add = true}
      %mul3A_47 = arith.constant 8 : i32
      %mul3A_48 = arith.muli %scan3A_28, %mul3A_47 : i32
      %add3A_49 = arith.constant 2 : i32
      %add3A_50 = arith.addi %mul3A_48, %add3A_49 : i32
      %dma_start3A_51 = arith.constant 0 : i32
      %dma_start3A_52 = tpu.memref_slice %arg4[%add3A_50, %dma_start3A_51] : memref<80x128xi32, #tpu.memory_space<vmem>> -> memref<1x128xi32, #tpu.memory_space<vmem>>
      %dma_start3A_53 = tpu.memref_squeeze %dma_start3A_52 : memref<1x128xi32, #tpu.memory_space<vmem>> -> memref<128xi32, #tpu.memory_space<vmem>>
      %dma_start3A_54 = arith.constant 0 : i32
      %dma_start3A_55 = tpu.memref_slice %arg7[%dma_start3A_54] : memref<10240xf32, #tpu.memory_space<vmem_shared>> -> memref<10240xf32, #tpu.memory_space<vmem_shared>>
      tpu.enqueue_indirect_dma source(%arg5 : memref<128xf32, #tpu.memory_space<vmem>>) target(%dma_start3A_55 : memref<10240xf32, #tpu.memory_space<vmem_shared>>) offsets(%dma_start3A_53 : memref<128xi32, #tpu.memory_space<vmem>>) semaphore(%arg8 : memref<!tpu.dma_semaphore, #tpu.memory_space<semaphore_mem>>) {add = true}
      %mul3A_56 = arith.constant 8 : i32
      %mul3A_57 = arith.muli %scan3A_28, %mul3A_56 : i32
      %add3A_58 = arith.constant 3 : i32
      %add3A_59 = arith.addi %mul3A_57, %add3A_58 : i32
      %dma_start3A_60 = arith.constant 0 : i32
      %dma_start3A_61 = tpu.memref_slice %arg4[%add3A_59, %dma_start3A_60] : memref<80x128xi32, #tpu.memory_space<vmem>> -> memref<1x128xi32, #tpu.memory_space<vmem>>
      %dma_start3A_62 = tpu.memref_squeeze %dma_start3A_61 : memref<1x128xi32, #tpu.memory_space<vmem>> -> memref<128xi32, #tpu.memory_space<vmem>>
      %dma_start3A_63 = arith.constant 0 : i32
      %dma_start3A_64 = tpu.memref_slice %arg7[%dma_start3A_63] : memref<10240xf32, #tpu.memory_space<vmem_shared>> -> memref<10240xf32, #tpu.memory_space<vmem_shared>>
      tpu.enqueue_indirect_dma source(%arg5 : memref<128xf32, #tpu.memory_space<vmem>>) target(%dma_start3A_64 : memref<10240xf32, #tpu.memory_space<vmem_shared>>) offsets(%dma_start3A_62 : memref<128xi32, #tpu.memory_space<vmem>>) semaphore(%arg8 : memref<!tpu.dma_semaphore, #tpu.memory_space<semaphore_mem>>) {add = true}
      %mul3A_65 = arith.constant 8 : i32
      %mul3A_66 = arith.muli %scan3A_28, %mul3A_65 : i32
      %add3A_67 = arith.constant 4 : i32
      %add3A_68 = arith.addi %mul3A_66, %add3A_67 : i32
      %dma_start3A_69 = arith.constant 0 : i32
      %dma_start3A_70 = tpu.memref_slice %arg4[%add3A_68, %dma_start3A_69] : memref<80x128xi32, #tpu.memory_space<vmem>> -> memref<1x128xi32, #tpu.memory_space<vmem>>
      %dma_start3A_71 = tpu.memref_squeeze %dma_start3A_70 : memref<1x128xi32, #tpu.memory_space<vmem>> -> memref<128xi32, #tpu.memory_space<vmem>>
      %dma_start3A_72 = arith.constant 0 : i32
      %dma_start3A_73 = tpu.memref_slice %arg7[%dma_start3A_72] : memref<10240xf32, #tpu.memory_space<vmem_shared>> -> memref<10240xf32, #tpu.memory_space<vmem_shared>>
      tpu.enqueue_indirect_dma source(%arg5 : memref<128xf32, #tpu.memory_space<vmem>>) target(%dma_start3A_73 : memref<10240xf32, #tpu.memory_space<vmem_shared>>) offsets(%dma_start3A_71 : memref<128xi32, #tpu.memory_space<vmem>>) semaphore(%arg8 : memref<!tpu.dma_semaphore, #tpu.memory_space<semaphore_mem>>) {add = true}
      %mul3A_74 = arith.constant 8 : i32
      %mul3A_75 = arith.muli %scan3A_28, %mul3A_74 : i32
      %add3A_76 = arith.constant 5 : i32
      %add3A_77 = arith.addi %mul3A_75, %add3A_76 : i32
      %dma_start3A_78 = arith.constant 0 : i32
      %dma_start3A_79 = tpu.memref_slice %arg4[%add3A_77, %dma_start3A_78] : memref<80x128xi32, #tpu.memory_space<vmem>> -> memref<1x128xi32, #tpu.memory_space<vmem>>
      %dma_start3A_80 = tpu.memref_squeeze %dma_start3A_79 : memref<1x128xi32, #tpu.memory_space<vmem>> -> memref<128xi32, #tpu.memory_space<vmem>>
      %dma_start3A_81 = arith.constant 0 : i32
      %dma_start3A_82 = tpu.memref_slice %arg7[%dma_start3A_81] : memref<10240xf32, #tpu.memory_space<vmem_shared>> -> memref<10240xf32, #tpu.memory_space<vmem_shared>>
      tpu.enqueue_indirect_dma source(%arg5 : memref<128xf32, #tpu.memory_space<vmem>>) target(%dma_start3A_82 : memref<10240xf32, #tpu.memory_space<vmem_shared>>) offsets(%dma_start3A_80 : memref<128xi32, #tpu.memory_space<vmem>>) semaphore(%arg8 : memref<!tpu.dma_semaphore, #tpu.memory_space<semaphore_mem>>) {add = true}
      %mul3A_83 = arith.constant 8 : i32
      %mul3A_84 = arith.muli %scan3A_28, %mul3A_83 : i32
      %add3A_85 = arith.constant 6 : i32
      %add3A_86 = arith.addi %mul3A_84, %add3A_85 : i32
      %dma_start3A_87 = arith.constant 0 : i32
      %dma_start3A_88 = tpu.memref_slice %arg4[%add3A_86, %dma_start3A_87] : memref<80x128xi32, #tpu.memory_space<vmem>> -> memref<1x128xi32, #tpu.memory_space<vmem>>
      %dma_start3A_89 = tpu.memref_squeeze %dma_start3A_88 : memref<1x128xi32, #tpu.memory_space<vmem>> -> memref<128xi32, #tpu.memory_space<vmem>>
      %dma_start3A_90 = arith.constant 0 : i32
      %dma_start3A_91 = tpu.memref_slice %arg7[%dma_start3A_90] : memref<10240xf32, #tpu.memory_space<vmem_shared>> -> memref<10240xf32, #tpu.memory_space<vmem_shared>>
      tpu.enqueue_indirect_dma source(%arg5 : memref<128xf32, #tpu.memory_space<vmem>>) target(%dma_start3A_91 : memref<10240xf32, #tpu.memory_space<vmem_shared>>) offsets(%dma_start3A_89 : memref<128xi32, #tpu.memory_space<vmem>>) semaphore(%arg8 : memref<!tpu.dma_semaphore, #tpu.memory_space<semaphore_mem>>) {add = true}
      %mul3A_92 = arith.constant 8 : i32
      %mul3A_93 = arith.muli %scan3A_28, %mul3A_92 : i32
      %add3A_94 = arith.constant 7 : i32
      %add3A_95 = arith.addi %mul3A_93, %add3A_94 : i32
      %dma_start3A_96 = arith.constant 0 : i32
      %dma_start3A_97 = tpu.memref_slice %arg4[%add3A_95, %dma_start3A_96] : memref<80x128xi32, #tpu.memory_space<vmem>> -> memref<1x128xi32, #tpu.memory_space<vmem>>
      %dma_start3A_98 = tpu.memref_squeeze %dma_start3A_97 : memref<1x128xi32, #tpu.memory_space<vmem>> -> memref<128xi32, #tpu.memory_space<vmem>>
      %dma_start3A_99 = arith.constant 0 : i32
      %dma_start3A_100 = tpu.memref_slice %arg7[%dma_start3A_99] : memref<10240xf32, #tpu.memory_space<vmem_shared>> -> memref<10240xf32, #tpu.memory_space<vmem_shared>>
      tpu.enqueue_indirect_dma source(%arg5 : memref<128xf32, #tpu.memory_space<vmem>>) target(%dma_start3A_100 : memref<10240xf32, #tpu.memory_space<vmem_shared>>) offsets(%dma_start3A_98 : memref<128xi32, #tpu.memory_space<vmem>>) semaphore(%arg8 : memref<!tpu.dma_semaphore, #tpu.memory_space<semaphore_mem>>) {add = true}
      %dma_wait3A = arith.constant 0 : i32
      %dma_wait3A_101 = arith.constant 0 : i32
      %dma_wait3A_102 = tpu.memref_slice %arg4[%dma_wait3A, %dma_wait3A_101] : memref<80x128xi32, #tpu.memory_space<vmem>> -> memref<1x128xi32, #tpu.memory_space<vmem>>
      %dma_wait3A_103 = tpu.memref_squeeze %dma_wait3A_102 : memref<1x128xi32, #tpu.memory_space<vmem>> -> memref<128xi32, #tpu.memory_space<vmem>>
      %dma_wait3A_104 = arith.constant 0 : i32
      %dma_wait3A_105 = tpu.memref_slice %arg7[%dma_wait3A_104] : memref<10240xf32, #tpu.memory_space<vmem_shared>> -> memref<10240xf32, #tpu.memory_space<vmem_shared>>
      tpu.wait_indirect_dma semaphore(%arg8 : memref<!tpu.dma_semaphore, #tpu.memory_space<semaphore_mem>>) src(%arg5 : memref<128xf32, #tpu.memory_space<vmem>>) dst(%dma_wait3A_105 : memref<10240xf32, #tpu.memory_space<vmem_shared>>)
      %dma_wait3A_106 = arith.constant 0 : i32
      %dma_wait3A_107 = arith.constant 0 : i32
      %dma_wait3A_108 = tpu.memref_slice %arg4[%dma_wait3A_106, %dma_wait3A_107] : memref<80x128xi32, #tpu.memory_space<vmem>> -> memref<1x128xi32, #tpu.memory_space<vmem>>
      %dma_wait3A_109 = tpu.memref_squeeze %dma_wait3A_108 : memref<1x128xi32, #tpu.memory_space<vmem>> -> memref<128xi32, #tpu.memory_space<vmem>>
      %dma_wait3A_110 = arith.constant 0 : i32
      %dma_wait3A_111 = tpu.memref_slice %arg7[%dma_wait3A_110] : memref<10240xf32, #tpu.memory_space<vmem_shared>> -> memref<10240xf32, #tpu.memory_space<vmem_shared>>
      tpu.wait_indirect_dma semaphore(%arg8 : memref<!tpu.dma_semaphore, #tpu.memory_space<semaphore_mem>>) src(%arg5 : memref<128xf32, #tpu.memory_space<vmem>>) dst(%dma_wait3A_111 : memref<10240xf32, #tpu.memory_space<vmem_shared>>)
      %dma_wait3A_112 = arith.constant 0 : i32
      %dma_wait3A_113 = arith.constant 0 : i32
      %dma_wait3A_114 = tpu.memref_slice %arg4[%dma_wait3A_112, %dma_wait3A_113] : memref<80x128xi32, #tpu.memory_space<vmem>> -> memref<1x128xi32, #tpu.memory_space<vmem>>
      %dma_wait3A_115 = tpu.memref_squeeze %dma_wait3A_114 : memref<1x128xi32, #tpu.memory_space<vmem>> -> memref<128xi32, #tpu.memory_space<vmem>>
      %dma_wait3A_116 = arith.constant 0 : i32
      %dma_wait3A_117 = tpu.memref_slice %arg7[%dma_wait3A_116] : memref<10240xf32, #tpu.memory_space<vmem_shared>> -> memref<10240xf32, #tpu.memory_space<vmem_shared>>
      tpu.wait_indirect_dma semaphore(%arg8 : memref<!tpu.dma_semaphore, #tpu.memory_space<semaphore_mem>>) src(%arg5 : memref<128xf32, #tpu.memory_space<vmem>>) dst(%dma_wait3A_117 : memref<10240xf32, #tpu.memory_space<vmem_shared>>)
      %dma_wait3A_118 = arith.constant 0 : i32
      %dma_wait3A_119 = arith.constant 0 : i32
      %dma_wait3A_120 = tpu.memref_slice %arg4[%dma_wait3A_118, %dma_wait3A_119] : memref<80x128xi32, #tpu.memory_space<vmem>> -> memref<1x128xi32, #tpu.memory_space<vmem>>
      %dma_wait3A_121 = tpu.memref_squeeze %dma_wait3A_120 : memref<1x128xi32, #tpu.memory_space<vmem>> -> memref<128xi32, #tpu.memory_space<vmem>>
      %dma_wait3A_122 = arith.constant 0 : i32
      %dma_wait3A_123 = tpu.memref_slice %arg7[%dma_wait3A_122] : memref<10240xf32, #tpu.memory_space<vmem_shared>> -> memref<10240xf32, #tpu.memory_space<vmem_shared>>
      tpu.wait_indirect_dma semaphore(%arg8 : memref<!tpu.dma_semaphore, #tpu.memory_space<semaphore_mem>>) src(%arg5 : memref<128xf32, #tpu.memory_space<vmem>>) dst(%dma_wait3A_123 : memref<10240xf32, #tpu.memory_space<vmem_shared>>)
      %dma_wait3A_124 = arith.constant 0 : i32
      %dma_wait3A_125 = arith.constant 0 : i32
      %dma_wait3A_126 = tpu.memref_slice %arg4[%dma_wait3A_124, %dma_wait3A_125] : memref<80x128xi32, #tpu.memory_space<vmem>> -> memref<1x128xi32, #tpu.memory_space<vmem>>
      %dma_wait3A_127 = tpu.memref_squeeze %dma_wait3A_126 : memref<1x128xi32, #tpu.memory_space<vmem>> -> memref<128xi32, #tpu.memory_space<vmem>>
      %dma_wait3A_128 = arith.constant 0 : i32
      %dma_wait3A_129 = tpu.memref_slice %arg7[%dma_wait3A_128] : memref<10240xf32, #tpu.memory_space<vmem_shared>> -> memref<10240xf32, #tpu.memory_space<vmem_shared>>
      tpu.wait_indirect_dma semaphore(%arg8 : memref<!tpu.dma_semaphore, #tpu.memory_space<semaphore_mem>>) src(%arg5 : memref<128xf32, #tpu.memory_space<vmem>>) dst(%dma_wait3A_129 : memref<10240xf32, #tpu.memory_space<vmem_shared>>)
      %dma_wait3A_130 = arith.constant 0 : i32
      %dma_wait3A_131 = arith.constant 0 : i32
      %dma_wait3A_132 = tpu.memref_slice %arg4[%dma_wait3A_130, %dma_wait3A_131] : memref<80x128xi32, #tpu.memory_space<vmem>> -> memref<1x128xi32, #tpu.memory_space<vmem>>
      %dma_wait3A_133 = tpu.memref_squeeze %dma_wait3A_132 : memref<1x128xi32, #tpu.memory_space<vmem>> -> memref<128xi32, #tpu.memory_space<vmem>>
      %dma_wait3A_134 = arith.constant 0 : i32
      %dma_wait3A_135 = tpu.memref_slice %arg7[%dma_wait3A_134] : memref<10240xf32, #tpu.memory_space<vmem_shared>> -> memref<10240xf32, #tpu.memory_space<vmem_shared>>
      tpu.wait_indirect_dma semaphore(%arg8 : memref<!tpu.dma_semaphore, #tpu.memory_space<semaphore_mem>>) src(%arg5 : memref<128xf32, #tpu.memory_space<vmem>>) dst(%dma_wait3A_135 : memref<10240xf32, #tpu.memory_space<vmem_shared>>)
      %dma_wait3A_136 = arith.constant 0 : i32
      %dma_wait3A_137 = arith.constant 0 : i32
      %dma_wait3A_138 = tpu.memref_slice %arg4[%dma_wait3A_136, %dma_wait3A_137] : memref<80x128xi32, #tpu.memory_space<vmem>> -> memref<1x128xi32, #tpu.memory_space<vmem>>
      %dma_wait3A_139 = tpu.memref_squeeze %dma_wait3A_138 : memref<1x128xi32, #tpu.memory_space<vmem>> -> memref<128xi32, #tpu.memory_space<vmem>>
      %dma_wait3A_140 = arith.constant 0 : i32
      %dma_wait3A_141 = tpu.memref_slice %arg7[%dma_wait3A_140] : memref<10240xf32, #tpu.memory_space<vmem_shared>> -> memref<10240xf32, #tpu.memory_space<vmem_shared>>
      tpu.wait_indirect_dma semaphore(%arg8 : memref<!tpu.dma_semaphore, #tpu.memory_space<semaphore_mem>>) src(%arg5 : memref<128xf32, #tpu.memory_space<vmem>>) dst(%dma_wait3A_141 : memref<10240xf32, #tpu.memory_space<vmem_shared>>)
      %dma_wait3A_142 = arith.constant 0 : i32
      %dma_wait3A_143 = arith.constant 0 : i32
      %dma_wait3A_144 = tpu.memref_slice %arg4[%dma_wait3A_142, %dma_wait3A_143] : memref<80x128xi32, #tpu.memory_space<vmem>> -> memref<1x128xi32, #tpu.memory_space<vmem>>
      %dma_wait3A_145 = tpu.memref_squeeze %dma_wait3A_144 : memref<1x128xi32, #tpu.memory_space<vmem>> -> memref<128xi32, #tpu.memory_space<vmem>>
      %dma_wait3A_146 = arith.constant 0 : i32
      %dma_wait3A_147 = tpu.memref_slice %arg7[%dma_wait3A_146] : memref<10240xf32, #tpu.memory_space<vmem_shared>> -> memref<10240xf32, #tpu.memory_space<vmem_shared>>
      tpu.wait_indirect_dma semaphore(%arg8 : memref<!tpu.dma_semaphore, #tpu.memory_space<semaphore_mem>>) src(%arg5 : memref<128xf32, #tpu.memory_space<vmem>>) dst(%dma_wait3A_147 : memref<10240xf32, #tpu.memory_space<vmem_shared>>)
      %scan3A_148 = arith.constant 0 : i32
      scf.yield %scan3A_148 : i32
    }
    %scan3A_22 = arith.constant 10 : i32
    %barrier3A_23 = arith.constant 0 : index
    tpu.barrier barrier_id(%barrier3A_23)
    %mul3A_24 = arith.constant 640 : i32
    %mul3A_25 = arith.muli %arg1, %mul3A_24 : i32
    %mul3A_26 = arith.constant 640 : i32
    %mul3A_27 = arith.muli %arg1, %mul3A_26 : i32
    "tpu.region"() ({
      %run_scoped3A = tpu.sem_alloc : memref<!tpu.dma_semaphore, #tpu.memory_space<semaphore_mem>>
      %dma_start3A = tpu.memref_slice %arg3[%arg0, %mul3A_27] : memref<2x10240xf32, #tpu.memory_space<hbm>> -> memref<1x640xf32, #tpu.memory_space<hbm>>
      %dma_start3A_28 = tpu.memref_squeeze %dma_start3A : memref<1x640xf32, #tpu.memory_space<hbm>> -> memref<640xf32, #tpu.memory_space<hbm>>
      %dma_start3A_29 = tpu.memref_slice %arg7[%mul3A_25] : memref<10240xf32, #tpu.memory_space<vmem_shared>> -> memref<640xf32, #tpu.memory_space<vmem_shared>>
      tpu.enqueue_dma source(%dma_start3A_29 : memref<640xf32, #tpu.memory_space<vmem_shared>>) target(%dma_start3A_28 : memref<640xf32, #tpu.memory_space<hbm>>) target_semaphore(%run_scoped3A : memref<!tpu.dma_semaphore, #tpu.memory_space<semaphore_mem>>)
      %dma_wait3A = tpu.memref_slice %arg3[%arg0, %mul3A_27] : memref<2x10240xf32, #tpu.memory_space<hbm>> -> memref<1x640xf32, #tpu.memory_space<hbm>>
      %dma_wait3A_30 = tpu.memref_squeeze %dma_wait3A : memref<1x640xf32, #tpu.memory_space<hbm>> -> memref<640xf32, #tpu.memory_space<hbm>>
      %dma_wait3A_31 = tpu.memref_slice %arg7[%mul3A_25] : memref<10240xf32, #tpu.memory_space<vmem_shared>> -> memref<640xf32, #tpu.memory_space<vmem_shared>>
      tpu.wait_dma2 semaphore(%run_scoped3A : memref<!tpu.dma_semaphore, #tpu.memory_space<semaphore_mem>>) src(%dma_wait3A_31 : memref<640xf32, #tpu.memory_space<vmem_shared>>) dst(%dma_wait3A_30 : memref<640xf32, #tpu.memory_space<hbm>>)
      tpu.yield
    }) : () -> ()
    return
  }
}

#map = affine_map<(d0, d1) -> (0, 0, 0)>
#map1 = affine_map<(d0, d1) -> (0, 0)>
module attributes {stable_mosaic.version = 14 : i64} {
  func.func @_scatter_kernel(%arg0: i32, %arg1: i32, %arg2: memref<32x80x128xi32, #tpu.memory_space<hbm>>, %arg3: memref<32x80x128xi32, #tpu.memory_space<hbm>>, %arg4: memref<10240x32xf32, #tpu.memory_space<hbm>>, %arg5: memref<2x10240x32xf32, #tpu.memory_space<hbm>>, %arg6: memref<80x128xi32, #tpu.memory_space<vmem>>, %arg7: memref<80x128xi32, #tpu.memory_space<vmem>>, %arg8: memref<128x32xf32, #tpu.memory_space<vmem>>, %arg9: memref<128x32xf32, #tpu.memory_space<vmem>>, %arg10: memref<128x32xf32, #tpu.memory_space<vmem>>, %arg11: memref<128x32xf32, #tpu.memory_space<vmem>>, %arg12: memref<128x32xf32, #tpu.memory_space<vmem>>, %arg13: memref<128x32xf32, #tpu.memory_space<vmem>>, %arg14: memref<128x32xf32, #tpu.memory_space<vmem>>, %arg15: memref<128x32xf32, #tpu.memory_space<vmem>>, %arg16: memref<64x32xf32, #tpu.memory_space<vmem>>, %arg17: memref<10240x32xf32, #tpu.memory_space<vmem_shared>>, %arg18: memref<10240x32xf32, #tpu.memory_space<vmem_shared>>, %arg19: memref<!tpu.dma_semaphore, #tpu.memory_space<semaphore_mem>>, %arg20: memref<!tpu.dma_semaphore, #tpu.memory_space<semaphore_mem>>, %arg21: memref<!tpu.dma_semaphore, #tpu.memory_space<semaphore_mem>>, %arg22: memref<!tpu.dma_semaphore, #tpu.memory_space<semaphore_mem>>, %arg23: memref<!tpu.dma_semaphore, #tpu.memory_space<semaphore_mem>>, %arg24: memref<!tpu.dma_semaphore, #tpu.memory_space<semaphore_mem>>, %arg25: memref<!tpu.dma_semaphore, #tpu.memory_space<semaphore_mem>>, %arg26: memref<!tpu.dma_semaphore, #tpu.memory_space<semaphore_mem>>, %arg27: memref<!tpu.dma_semaphore, #tpu.memory_space<semaphore_mem>>, %arg28: memref<!tpu.dma_semaphore, #tpu.memory_space<semaphore_mem>>, %arg29: memref<!tpu.dma_semaphore, #tpu.memory_space<semaphore_mem>>, %arg30: memref<!tpu.dma_semaphore, #tpu.memory_space<semaphore_mem>>, %arg31: memref<!tpu.dma_semaphore, #tpu.memory_space<semaphore_mem>>, %arg32: memref<!tpu.dma_semaphore, #tpu.memory_space<semaphore_mem>>, %arg33: memref<!tpu.dma_semaphore, #tpu.memory_space<semaphore_mem>>, %arg34: memref<!tpu.dma_semaphore, #tpu.memory_space<semaphore_mem>>) attributes {dimension_semantics = [#tpu.dimension_semantics<core_parallel>, #tpu.dimension_semantics<subcore_parallel>], iteration_bounds = array<i64: 2, 16>, scalar_prefetch = 0 : i64, scratch_operands = 29 : i64, tpu.core_type = #tpu.core_type<sc_vector_subcore>, window_params = [{transform_indices = #map}, {transform_indices = #map}, {transform_indices = #map1}, {transform_indices = #map}]} {
    %mul3A = arith.constant 16 : i32
    %mul3A_0 = arith.muli %arg0, %mul3A : i32
    %add3A = arith.addi %mul3A_0, %arg1 : i32
    "tpu.region"() ({
      %run_scoped3A = tpu.sem_alloc : memref<!tpu.dma_semaphore, #tpu.memory_space<semaphore_mem>>
      %dma_start3A_112 = arith.constant 0 : i32
      %dma_start3A_113 = arith.constant 0 : i32
      %dma_start3A_114 = tpu.memref_slice %arg2[%add3A, %dma_start3A_112, %dma_start3A_113] : memref<32x80x128xi32, #tpu.memory_space<hbm>> -> memref<1x80x128xi32, #tpu.memory_space<hbm>>
      %dma_start3A_115 = tpu.memref_squeeze %dma_start3A_114 : memref<1x80x128xi32, #tpu.memory_space<hbm>> -> memref<80x128xi32, #tpu.memory_space<hbm>>
      %dma_start3A_116 = arith.constant 0 : i32
      %dma_start3A_117 = arith.constant 0 : i32
      %dma_start3A_118 = tpu.memref_slice %arg2[%add3A, %dma_start3A_116, %dma_start3A_117] : memref<32x80x128xi32, #tpu.memory_space<hbm>> -> memref<1x80x128xi32, #tpu.memory_space<hbm>>
      %dma_start3A_119 = tpu.memref_squeeze %dma_start3A_118 : memref<1x80x128xi32, #tpu.memory_space<hbm>> -> memref<80x128xi32, #tpu.memory_space<hbm>>
      tpu.enqueue_dma source(%dma_start3A_119 : memref<80x128xi32, #tpu.memory_space<hbm>>) target(%arg6 : memref<80x128xi32, #tpu.memory_space<vmem>>) target_semaphore(%run_scoped3A : memref<!tpu.dma_semaphore, #tpu.memory_space<semaphore_mem>>)
      %dma_wait3A_120 = arith.constant 0 : i32
      %dma_wait3A_121 = arith.constant 0 : i32
      %dma_wait3A_122 = tpu.memref_slice %arg2[%add3A, %dma_wait3A_120, %dma_wait3A_121] : memref<32x80x128xi32, #tpu.memory_space<hbm>> -> memref<1x80x128xi32, #tpu.memory_space<hbm>>
      %dma_wait3A_123 = tpu.memref_squeeze %dma_wait3A_122 : memref<1x80x128xi32, #tpu.memory_space<hbm>> -> memref<80x128xi32, #tpu.memory_space<hbm>>
      %dma_wait3A_124 = arith.constant 0 : i32
      %dma_wait3A_125 = arith.constant 0 : i32
      %dma_wait3A_126 = tpu.memref_slice %arg2[%add3A, %dma_wait3A_124, %dma_wait3A_125] : memref<32x80x128xi32, #tpu.memory_space<hbm>> -> memref<1x80x128xi32, #tpu.memory_space<hbm>>
      %dma_wait3A_127 = tpu.memref_squeeze %dma_wait3A_126 : memref<1x80x128xi32, #tpu.memory_space<hbm>> -> memref<80x128xi32, #tpu.memory_space<hbm>>
      tpu.wait_dma2 semaphore(%run_scoped3A : memref<!tpu.dma_semaphore, #tpu.memory_space<semaphore_mem>>) src(%dma_wait3A_127 : memref<80x128xi32, #tpu.memory_space<hbm>>) dst(%arg6 : memref<80x128xi32, #tpu.memory_space<vmem>>)
      tpu.yield
    }) : () -> ()
    "tpu.region"() ({
      %run_scoped3A = tpu.sem_alloc : memref<!tpu.dma_semaphore, #tpu.memory_space<semaphore_mem>>
      %dma_start3A_112 = arith.constant 0 : i32
      %dma_start3A_113 = arith.constant 0 : i32
      %dma_start3A_114 = tpu.memref_slice %arg3[%add3A, %dma_start3A_112, %dma_start3A_113] : memref<32x80x128xi32, #tpu.memory_space<hbm>> -> memref<1x80x128xi32, #tpu.memory_space<hbm>>
      %dma_start3A_115 = tpu.memref_squeeze %dma_start3A_114 : memref<1x80x128xi32, #tpu.memory_space<hbm>> -> memref<80x128xi32, #tpu.memory_space<hbm>>
      %dma_start3A_116 = arith.constant 0 : i32
      %dma_start3A_117 = arith.constant 0 : i32
      %dma_start3A_118 = tpu.memref_slice %arg3[%add3A, %dma_start3A_116, %dma_start3A_117] : memref<32x80x128xi32, #tpu.memory_space<hbm>> -> memref<1x80x128xi32, #tpu.memory_space<hbm>>
      %dma_start3A_119 = tpu.memref_squeeze %dma_start3A_118 : memref<1x80x128xi32, #tpu.memory_space<hbm>> -> memref<80x128xi32, #tpu.memory_space<hbm>>
      tpu.enqueue_dma source(%dma_start3A_119 : memref<80x128xi32, #tpu.memory_space<hbm>>) target(%arg7 : memref<80x128xi32, #tpu.memory_space<vmem>>) target_semaphore(%run_scoped3A : memref<!tpu.dma_semaphore, #tpu.memory_space<semaphore_mem>>)
      %dma_wait3A_120 = arith.constant 0 : i32
      %dma_wait3A_121 = arith.constant 0 : i32
      %dma_wait3A_122 = tpu.memref_slice %arg3[%add3A, %dma_wait3A_120, %dma_wait3A_121] : memref<32x80x128xi32, #tpu.memory_space<hbm>> -> memref<1x80x128xi32, #tpu.memory_space<hbm>>
      %dma_wait3A_123 = tpu.memref_squeeze %dma_wait3A_122 : memref<1x80x128xi32, #tpu.memory_space<hbm>> -> memref<80x128xi32, #tpu.memory_space<hbm>>
      %dma_wait3A_124 = arith.constant 0 : i32
      %dma_wait3A_125 = arith.constant 0 : i32
      %dma_wait3A_126 = tpu.memref_slice %arg3[%add3A, %dma_wait3A_124, %dma_wait3A_125] : memref<32x80x128xi32, #tpu.memory_space<hbm>> -> memref<1x80x128xi32, #tpu.memory_space<hbm>>
      %dma_wait3A_127 = tpu.memref_squeeze %dma_wait3A_126 : memref<1x80x128xi32, #tpu.memory_space<hbm>> -> memref<80x128xi32, #tpu.memory_space<hbm>>
      tpu.wait_dma2 semaphore(%run_scoped3A : memref<!tpu.dma_semaphore, #tpu.memory_space<semaphore_mem>>) src(%dma_wait3A_127 : memref<80x128xi32, #tpu.memory_space<hbm>>) dst(%arg7 : memref<80x128xi32, #tpu.memory_space<vmem>>)
      tpu.yield
    }) : () -> ()
    %mul3A_1 = arith.constant 640 : i32
    %mul3A_2 = arith.muli %arg1, %mul3A_1 : i32
    %mul3A_3 = arith.constant 640 : i32
    %mul3A_4 = arith.muli %arg1, %mul3A_3 : i32
    "tpu.region"() ({
      %run_scoped3A = tpu.sem_alloc : memref<!tpu.dma_semaphore, #tpu.memory_space<semaphore_mem>>
      %dma_start3A_112 = arith.constant 0 : i32
      %dma_start3A_113 = tpu.memref_slice %arg18[%mul3A_4, %dma_start3A_112] : memref<10240x32xf32, #tpu.memory_space<vmem_shared>> -> memref<640x32xf32, #tpu.memory_space<vmem_shared>>
      %dma_start3A_114 = arith.constant 0 : i32
      %dma_start3A_115 = tpu.memref_slice %arg4[%mul3A_2, %dma_start3A_114] : memref<10240x32xf32, #tpu.memory_space<hbm>> -> memref<640x32xf32, #tpu.memory_space<hbm>>
      tpu.enqueue_dma source(%dma_start3A_115 : memref<640x32xf32, #tpu.memory_space<hbm>>) target(%dma_start3A_113 : memref<640x32xf32, #tpu.memory_space<vmem_shared>>) target_semaphore(%run_scoped3A : memref<!tpu.dma_semaphore, #tpu.memory_space<semaphore_mem>>)
      %dma_wait3A_116 = arith.constant 0 : i32
      %dma_wait3A_117 = tpu.memref_slice %arg18[%mul3A_4, %dma_wait3A_116] : memref<10240x32xf32, #tpu.memory_space<vmem_shared>> -> memref<640x32xf32, #tpu.memory_space<vmem_shared>>
      %dma_wait3A_118 = arith.constant 0 : i32
      %dma_wait3A_119 = tpu.memref_slice %arg4[%mul3A_2, %dma_wait3A_118] : memref<10240x32xf32, #tpu.memory_space<hbm>> -> memref<640x32xf32, #tpu.memory_space<hbm>>
      tpu.wait_dma2 semaphore(%run_scoped3A : memref<!tpu.dma_semaphore, #tpu.memory_space<semaphore_mem>>) src(%dma_wait3A_119 : memref<640x32xf32, #tpu.memory_space<hbm>>) dst(%dma_wait3A_117 : memref<640x32xf32, #tpu.memory_space<vmem_shared>>)
      tpu.yield
    }) : () -> ()
    %scan3A = arith.constant 0 : i32
    %scan3A_5 = arith.constant 0 : i32
    %scan3A_6 = arith.constant 64 : i32
    %scan3A_7 = arith.addi %scan3A_5, %scan3A_6 : i32
    %scan3A_8 = arith.constant 1 : i32
    %scan3A_9 = scf.for %scan3A_112 = %scan3A_5 to %scan3A_7 step %scan3A_8 iter_args(%scan3A_113 = %scan3A) -> (i32)  : i32 {
      %broadcast_in_dim3A = arith.constant 0.000000e+00 : f32
      %broadcast_in_dim3A_114 = vector.broadcast %broadcast_in_dim3A : f32 to vector<16xf32>
      %swap3A = arith.index_cast %scan3A_112 : i32 to index
      %swap3A_115 = arith.constant 0 : index
      %swap3A_116 = tpu.vector_load %arg16[%swap3A, %swap3A_115] {strides = array<i32>} : memref<64x32xf32, #tpu.memory_space<vmem>>, vector<1x16xf32>,
      %swap3A_117 = vector.shape_cast %swap3A_116 : vector<1x16xf32> to vector<16xf32>
      %swap3A_118 = vector.shape_cast %broadcast_in_dim3A_114 : vector<16xf32> to vector<1x16xf32>
      tpu.vector_store %arg16[%swap3A, %swap3A_115], %swap3A_118 {strides = array<i32>} : memref<64x32xf32, #tpu.memory_space<vmem>>, vector<1x16xf32>,
      %broadcast_in_dim3A_119 = arith.constant 0.000000e+00 : f32
      %broadcast_in_dim3A_120 = vector.broadcast %broadcast_in_dim3A_119 : f32 to vector<16xf32>
      %swap3A_121 = arith.index_cast %scan3A_112 : i32 to index
      %swap3A_122 = arith.constant 16 : index
      %swap3A_123 = tpu.vector_load %arg16[%swap3A_121, %swap3A_122] {strides = array<i32>} : memref<64x32xf32, #tpu.memory_space<vmem>>, vector<1x16xf32>,
      %swap3A_124 = vector.shape_cast %swap3A_123 : vector<1x16xf32> to vector<16xf32>
      %swap3A_125 = vector.shape_cast %broadcast_in_dim3A_120 : vector<16xf32> to vector<1x16xf32>
      tpu.vector_store %arg16[%swap3A_121, %swap3A_122], %swap3A_125 {strides = array<i32>} : memref<64x32xf32, #tpu.memory_space<vmem>>, vector<1x16xf32>,
      %scan3A_126 = arith.constant 0 : i32
      scf.yield %scan3A_126 : i32
    }
    %scan3A_10 = arith.constant 64 : i32
    %scan3A_11 = arith.constant 0 : i32
    %scan3A_12 = arith.constant 0 : i32
    %scan3A_13 = arith.constant 10 : i32
    %scan3A_14 = arith.addi %scan3A_12, %scan3A_13 : i32
    %scan3A_15 = arith.constant 1 : i32
    %scan3A_16 = scf.for %scan3A_112 = %scan3A_12 to %scan3A_14 step %scan3A_15 iter_args(%scan3A_113 = %scan3A_11) -> (i32)  : i32 {
      %mul3A_114 = arith.constant 640 : i32
      %mul3A_115 = arith.muli %arg1, %mul3A_114 : i32
      %mul3A_116 = arith.constant 64 : i32
      %mul3A_117 = arith.muli %scan3A_112, %mul3A_116 : i32
      %add3A_118 = arith.addi %mul3A_115, %mul3A_117 : i32
      "tpu.region"() ({
        %run_scoped3A = tpu.sem_alloc : memref<!tpu.dma_semaphore, #tpu.memory_space<semaphore_mem>>
        %dma_start3A_120 = arith.constant 0 : i32
        %dma_start3A_121 = tpu.memref_slice %arg17[%add3A_118, %dma_start3A_120] : memref<10240x32xf32, #tpu.memory_space<vmem_shared>> -> memref<64x32xf32, #tpu.memory_space<vmem_shared>>
        %dma_start3A_122 = arith.constant 0 : i32
        %dma_start3A_123 = tpu.memref_slice %arg17[%add3A_118, %dma_start3A_122] : memref<10240x32xf32, #tpu.memory_space<vmem_shared>> -> memref<64x32xf32, #tpu.memory_space<vmem_shared>>
        tpu.enqueue_dma source(%arg16 : memref<64x32xf32, #tpu.memory_space<vmem>>) target(%dma_start3A_123 : memref<64x32xf32, #tpu.memory_space<vmem_shared>>) target_semaphore(%run_scoped3A : memref<!tpu.dma_semaphore, #tpu.memory_space<semaphore_mem>>)
        %dma_wait3A_124 = arith.constant 0 : i32
        %dma_wait3A_125 = tpu.memref_slice %arg17[%add3A_118, %dma_wait3A_124] : memref<10240x32xf32, #tpu.memory_space<vmem_shared>> -> memref<64x32xf32, #tpu.memory_space<vmem_shared>>
        %dma_wait3A_126 = arith.constant 0 : i32
        %dma_wait3A_127 = tpu.memref_slice %arg17[%add3A_118, %dma_wait3A_126] : memref<10240x32xf32, #tpu.memory_space<vmem_shared>> -> memref<64x32xf32, #tpu.memory_space<vmem_shared>>
        tpu.wait_dma2 semaphore(%run_scoped3A : memref<!tpu.dma_semaphore, #tpu.memory_space<semaphore_mem>>) src(%arg16 : memref<64x32xf32, #tpu.memory_space<vmem>>) dst(%dma_wait3A_127 : memref<64x32xf32, #tpu.memory_space<vmem_shared>>)
        tpu.yield
      }) : () -> ()
      %scan3A_119 = arith.constant 0 : i32
      scf.yield %scan3A_119 : i32
    }
    %scan3A_17 = arith.constant 10 : i32
    %barrier3A = arith.constant 0 : index
    tpu.barrier barrier_id(%barrier3A)
    %dma_start3A = arith.constant 0 : i32
    %dma_start3A_18 = arith.constant 0 : i32
    %dma_start3A_19 = tpu.memref_slice %arg6[%dma_start3A, %dma_start3A_18] : memref<80x128xi32, #tpu.memory_space<vmem>> -> memref<1x128xi32, #tpu.memory_space<vmem>>
    %dma_start3A_20 = tpu.memref_squeeze %dma_start3A_19 : memref<1x128xi32, #tpu.memory_space<vmem>> -> memref<128xi32, #tpu.memory_space<vmem>>
    %dma_start3A_21 = arith.constant 0 : i32
    %dma_start3A_22 = arith.constant 0 : i32
    %dma_start3A_23 = tpu.memref_slice %arg18[%dma_start3A_21, %dma_start3A_22] : memref<10240x32xf32, #tpu.memory_space<vmem_shared>> -> memref<10240x32xf32, #tpu.memory_space<vmem_shared>>
    tpu.enqueue_indirect_dma source(%dma_start3A_23 : memref<10240x32xf32, #tpu.memory_space<vmem_shared>>) target(%arg8 : memref<128x32xf32, #tpu.memory_space<vmem>>) offsets(%dma_start3A_20 : memref<128xi32, #tpu.memory_space<vmem>>) semaphore(%arg19 : memref<!tpu.dma_semaphore, #tpu.memory_space<semaphore_mem>>)
    %dma_start3A_24 = arith.constant 1 : i32
    %dma_start3A_25 = arith.constant 0 : i32
    %dma_start3A_26 = tpu.memref_slice %arg6[%dma_start3A_24, %dma_start3A_25] : memref<80x128xi32, #tpu.memory_space<vmem>> -> memref<1x128xi32, #tpu.memory_space<vmem>>
    %dma_start3A_27 = tpu.memref_squeeze %dma_start3A_26 : memref<1x128xi32, #tpu.memory_space<vmem>> -> memref<128xi32, #tpu.memory_space<vmem>>
    %dma_start3A_28 = arith.constant 0 : i32
    %dma_start3A_29 = arith.constant 0 : i32
    %dma_start3A_30 = tpu.memref_slice %arg18[%dma_start3A_28, %dma_start3A_29] : memref<10240x32xf32, #tpu.memory_space<vmem_shared>> -> memref<10240x32xf32, #tpu.memory_space<vmem_shared>>
    tpu.enqueue_indirect_dma source(%dma_start3A_30 : memref<10240x32xf32, #tpu.memory_space<vmem_shared>>) target(%arg9 : memref<128x32xf32, #tpu.memory_space<vmem>>) offsets(%dma_start3A_27 : memref<128xi32, #tpu.memory_space<vmem>>) semaphore(%arg20 : memref<!tpu.dma_semaphore, #tpu.memory_space<semaphore_mem>>)
    %dma_start3A_31 = arith.constant 2 : i32
    %dma_start3A_32 = arith.constant 0 : i32
    %dma_start3A_33 = tpu.memref_slice %arg6[%dma_start3A_31, %dma_start3A_32] : memref<80x128xi32, #tpu.memory_space<vmem>> -> memref<1x128xi32, #tpu.memory_space<vmem>>
    %dma_start3A_34 = tpu.memref_squeeze %dma_start3A_33 : memref<1x128xi32, #tpu.memory_space<vmem>> -> memref<128xi32, #tpu.memory_space<vmem>>
    %dma_start3A_35 = arith.constant 0 : i32
    %dma_start3A_36 = arith.constant 0 : i32
    %dma_start3A_37 = tpu.memref_slice %arg18[%dma_start3A_35, %dma_start3A_36] : memref<10240x32xf32, #tpu.memory_space<vmem_shared>> -> memref<10240x32xf32, #tpu.memory_space<vmem_shared>>
    tpu.enqueue_indirect_dma source(%dma_start3A_37 : memref<10240x32xf32, #tpu.memory_space<vmem_shared>>) target(%arg10 : memref<128x32xf32, #tpu.memory_space<vmem>>) offsets(%dma_start3A_34 : memref<128xi32, #tpu.memory_space<vmem>>) semaphore(%arg21 : memref<!tpu.dma_semaphore, #tpu.memory_space<semaphore_mem>>)
    %dma_start3A_38 = arith.constant 3 : i32
    %dma_start3A_39 = arith.constant 0 : i32
    %dma_start3A_40 = tpu.memref_slice %arg6[%dma_start3A_38, %dma_start3A_39] : memref<80x128xi32, #tpu.memory_space<vmem>> -> memref<1x128xi32, #tpu.memory_space<vmem>>
    %dma_start3A_41 = tpu.memref_squeeze %dma_start3A_40 : memref<1x128xi32, #tpu.memory_space<vmem>> -> memref<128xi32, #tpu.memory_space<vmem>>
    %dma_start3A_42 = arith.constant 0 : i32
    %dma_start3A_43 = arith.constant 0 : i32
    %dma_start3A_44 = tpu.memref_slice %arg18[%dma_start3A_42, %dma_start3A_43] : memref<10240x32xf32, #tpu.memory_space<vmem_shared>> -> memref<10240x32xf32, #tpu.memory_space<vmem_shared>>
    tpu.enqueue_indirect_dma source(%dma_start3A_44 : memref<10240x32xf32, #tpu.memory_space<vmem_shared>>) target(%arg11 : memref<128x32xf32, #tpu.memory_space<vmem>>) offsets(%dma_start3A_41 : memref<128xi32, #tpu.memory_space<vmem>>) semaphore(%arg22 : memref<!tpu.dma_semaphore, #tpu.memory_space<semaphore_mem>>)
    %scan3A_45 = arith.constant 0 : i32
    %scan3A_46 = arith.constant 0 : i32
    %scan3A_47 = arith.constant 10 : i32
    %scan3A_48 = arith.addi %scan3A_46, %scan3A_47 : i32
    %scan3A_49 = arith.constant 1 : i32
    %scan3A_50 = scf.for %scan3A_112 = %scan3A_46 to %scan3A_48 step %scan3A_49 iter_args(%scan3A_113 = %scan3A_45) -> (i32)  : i32 {
      %mul3A_114 = arith.constant 8 : i32
      %mul3A_115 = arith.muli %scan3A_112, %mul3A_114 : i32
      %add3A_116 = arith.constant 0 : i32
      %add3A_117 = arith.addi %mul3A_115, %add3A_116 : i32
      %dma_wait3A_118 = arith.constant 0 : i32
      %dma_wait3A_119 = tpu.memref_slice %arg6[%add3A_117, %dma_wait3A_118] : memref<80x128xi32, #tpu.memory_space<vmem>> -> memref<1x128xi32, #tpu.memory_space<vmem>>
      %dma_wait3A_120 = tpu.memref_squeeze %dma_wait3A_119 : memref<1x128xi32, #tpu.memory_space<vmem>> -> memref<128xi32, #tpu.memory_space<vmem>>
      %dma_wait3A_121 = arith.constant 0 : i32
      %dma_wait3A_122 = arith.constant 0 : i32
      %dma_wait3A_123 = tpu.memref_slice %arg18[%dma_wait3A_121, %dma_wait3A_122] : memref<10240x32xf32, #tpu.memory_space<vmem_shared>> -> memref<10240x32xf32, #tpu.memory_space<vmem_shared>>
      tpu.wait_indirect_dma semaphore(%arg19 : memref<!tpu.dma_semaphore, #tpu.memory_space<semaphore_mem>>) src(%dma_wait3A_123 : memref<10240x32xf32, #tpu.memory_space<vmem_shared>>) dst(%arg8 : memref<128x32xf32, #tpu.memory_space<vmem>>)
      %dma_start3A_124 = arith.constant 0 : i32
      %dma_start3A_125 = tpu.memref_slice %arg7[%add3A_117, %dma_start3A_124] : memref<80x128xi32, #tpu.memory_space<vmem>> -> memref<1x128xi32, #tpu.memory_space<vmem>>
      %dma_start3A_126 = tpu.memref_squeeze %dma_start3A_125 : memref<1x128xi32, #tpu.memory_space<vmem>> -> memref<128xi32, #tpu.memory_space<vmem>>
      %dma_start3A_127 = arith.constant 0 : i32
      %dma_start3A_128 = arith.constant 0 : i32
      %dma_start3A_129 = tpu.memref_slice %arg17[%dma_start3A_127, %dma_start3A_128] : memref<10240x32xf32, #tpu.memory_space<vmem_shared>> -> memref<10240x32xf32, #tpu.memory_space<vmem_shared>>
      tpu.enqueue_indirect_dma source(%arg8 : memref<128x32xf32, #tpu.memory_space<vmem>>) target(%dma_start3A_129 : memref<10240x32xf32, #tpu.memory_space<vmem_shared>>) offsets(%dma_start3A_126 : memref<128xi32, #tpu.memory_space<vmem>>) semaphore(%arg27 : memref<!tpu.dma_semaphore, #tpu.memory_space<semaphore_mem>>) {add = true}
      %add3A_130 = arith.constant 4 : i32
      %add3A_131 = arith.addi %add3A_117, %add3A_130 : i32
      %ge3A = arith.constant 8 : i32
      %ge3A_132 = arith.cmpi sge, %add3A_131, %ge3A : i32
      %lt3A = arith.constant 80 : i32
      %lt3A_133 = arith.cmpi slt, %add3A_131, %lt3A : i32
      %and3A = arith.andi %ge3A_132, %lt3A_133 : i1
      %convert_element_type3A = arith.extui %and3A : i1 to i32
      %cond3A = arith.constant 0 : i32
      %cond3A_134 = arith.cmpi ne, %convert_element_type3A, %cond3A : i32
      scf.if %cond3A_134 {
        %dma_wait3A_358 = arith.constant 0 : i32
        %dma_wait3A_359 = arith.constant 0 : i32
        %dma_wait3A_360 = tpu.memref_slice %arg7[%dma_wait3A_358, %dma_wait3A_359] : memref<80x128xi32, #tpu.memory_space<vmem>> -> memref<1x128xi32, #tpu.memory_space<vmem>>
        %dma_wait3A_361 = tpu.memref_squeeze %dma_wait3A_360 : memref<1x128xi32, #tpu.memory_space<vmem>> -> memref<128xi32, #tpu.memory_space<vmem>>
        %dma_wait3A_362 = arith.constant 0 : i32
        %dma_wait3A_363 = arith.constant 0 : i32
        %dma_wait3A_364 = tpu.memref_slice %arg17[%dma_wait3A_362, %dma_wait3A_363] : memref<10240x32xf32, #tpu.memory_space<vmem_shared>> -> memref<10240x32xf32, #tpu.memory_space<vmem_shared>>
        tpu.wait_indirect_dma semaphore(%arg31 : memref<!tpu.dma_semaphore, #tpu.memory_space<semaphore_mem>>) src(%arg12 : memref<128x32xf32, #tpu.memory_space<vmem>>) dst(%dma_wait3A_364 : memref<10240x32xf32, #tpu.memory_space<vmem_shared>>)
      } else {
      }
      %lt3A_135 = arith.constant 80 : i32
      %lt3A_136 = arith.cmpi slt, %add3A_131, %lt3A_135 : i32
      %convert_element_type3A_137 = arith.extui %lt3A_136 : i1 to i32
      %cond3A_138 = arith.constant 0 : i32
      %cond3A_139 = arith.cmpi ne, %convert_element_type3A_137, %cond3A_138 : i32
      scf.if %cond3A_139 {
        %dma_start3A_358 = arith.constant 0 : i32
        %dma_start3A_359 = tpu.memref_slice %arg6[%add3A_131, %dma_start3A_358] : memref<80x128xi32, #tpu.memory_space<vmem>> -> memref<1x128xi32, #tpu.memory_space<vmem>>
        %dma_start3A_360 = tpu.memref_squeeze %dma_start3A_359 : memref<1x128xi32, #tpu.memory_space<vmem>> -> memref<128xi32, #tpu.memory_space<vmem>>
        %dma_start3A_361 = arith.constant 0 : i32
        %dma_start3A_362 = arith.constant 0 : i32
        %dma_start3A_363 = tpu.memref_slice %arg18[%dma_start3A_361, %dma_start3A_362] : memref<10240x32xf32, #tpu.memory_space<vmem_shared>> -> memref<10240x32xf32, #tpu.memory_space<vmem_shared>>
        tpu.enqueue_indirect_dma source(%dma_start3A_363 : memref<10240x32xf32, #tpu.memory_space<vmem_shared>>) target(%arg12 : memref<128x32xf32, #tpu.memory_space<vmem>>) offsets(%dma_start3A_360 : memref<128xi32, #tpu.memory_space<vmem>>) semaphore(%arg23 : memref<!tpu.dma_semaphore, #tpu.memory_space<semaphore_mem>>)
      } else {
      }
      %mul3A_140 = arith.constant 8 : i32
      %mul3A_141 = arith.muli %scan3A_112, %mul3A_140 : i32
      %add3A_142 = arith.constant 1 : i32
      %add3A_143 = arith.addi %mul3A_141, %add3A_142 : i32
      %dma_wait3A_144 = arith.constant 0 : i32
      %dma_wait3A_145 = tpu.memref_slice %arg6[%add3A_143, %dma_wait3A_144] : memref<80x128xi32, #tpu.memory_space<vmem>> -> memref<1x128xi32, #tpu.memory_space<vmem>>
      %dma_wait3A_146 = tpu.memref_squeeze %dma_wait3A_145 : memref<1x128xi32, #tpu.memory_space<vmem>> -> memref<128xi32, #tpu.memory_space<vmem>>
      %dma_wait3A_147 = arith.constant 0 : i32
      %dma_wait3A_148 = arith.constant 0 : i32
      %dma_wait3A_149 = tpu.memref_slice %arg18[%dma_wait3A_147, %dma_wait3A_148] : memref<10240x32xf32, #tpu.memory_space<vmem_shared>> -> memref<10240x32xf32, #tpu.memory_space<vmem_shared>>
      tpu.wait_indirect_dma semaphore(%arg20 : memref<!tpu.dma_semaphore, #tpu.memory_space<semaphore_mem>>) src(%dma_wait3A_149 : memref<10240x32xf32, #tpu.memory_space<vmem_shared>>) dst(%arg9 : memref<128x32xf32, #tpu.memory_space<vmem>>)
      %dma_start3A_150 = arith.constant 0 : i32
      %dma_start3A_151 = tpu.memref_slice %arg7[%add3A_143, %dma_start3A_150] : memref<80x128xi32, #tpu.memory_space<vmem>> -> memref<1x128xi32, #tpu.memory_space<vmem>>
      %dma_start3A_152 = tpu.memref_squeeze %dma_start3A_151 : memref<1x128xi32, #tpu.memory_space<vmem>> -> memref<128xi32, #tpu.memory_space<vmem>>
      %dma_start3A_153 = arith.constant 0 : i32
      %dma_start3A_154 = arith.constant 0 : i32
      %dma_start3A_155 = tpu.memref_slice %arg17[%dma_start3A_153, %dma_start3A_154] : memref<10240x32xf32, #tpu.memory_space<vmem_shared>> -> memref<10240x32xf32, #tpu.memory_space<vmem_shared>>
      tpu.enqueue_indirect_dma source(%arg9 : memref<128x32xf32, #tpu.memory_space<vmem>>) target(%dma_start3A_155 : memref<10240x32xf32, #tpu.memory_space<vmem_shared>>) offsets(%dma_start3A_152 : memref<128xi32, #tpu.memory_space<vmem>>) semaphore(%arg28 : memref<!tpu.dma_semaphore, #tpu.memory_space<semaphore_mem>>) {add = true}
      %add3A_156 = arith.constant 4 : i32
      %add3A_157 = arith.addi %add3A_143, %add3A_156 : i32
      %ge3A_158 = arith.constant 8 : i32
      %ge3A_159 = arith.cmpi sge, %add3A_157, %ge3A_158 : i32
      %lt3A_160 = arith.constant 80 : i32
      %lt3A_161 = arith.cmpi slt, %add3A_157, %lt3A_160 : i32
      %and3A_162 = arith.andi %ge3A_159, %lt3A_161 : i1
      %convert_element_type3A_163 = arith.extui %and3A_162 : i1 to i32
      %cond3A_164 = arith.constant 0 : i32
      %cond3A_165 = arith.cmpi ne, %convert_element_type3A_163, %cond3A_164 : i32
      scf.if %cond3A_165 {
        %dma_wait3A_358 = arith.constant 0 : i32
        %dma_wait3A_359 = arith.constant 0 : i32
        %dma_wait3A_360 = tpu.memref_slice %arg7[%dma_wait3A_358, %dma_wait3A_359] : memref<80x128xi32, #tpu.memory_space<vmem>> -> memref<1x128xi32, #tpu.memory_space<vmem>>
        %dma_wait3A_361 = tpu.memref_squeeze %dma_wait3A_360 : memref<1x128xi32, #tpu.memory_space<vmem>> -> memref<128xi32, #tpu.memory_space<vmem>>
        %dma_wait3A_362 = arith.constant 0 : i32
        %dma_wait3A_363 = arith.constant 0 : i32
        %dma_wait3A_364 = tpu.memref_slice %arg17[%dma_wait3A_362, %dma_wait3A_363] : memref<10240x32xf32, #tpu.memory_space<vmem_shared>> -> memref<10240x32xf32, #tpu.memory_space<vmem_shared>>
        tpu.wait_indirect_dma semaphore(%arg32 : memref<!tpu.dma_semaphore, #tpu.memory_space<semaphore_mem>>) src(%arg13 : memref<128x32xf32, #tpu.memory_space<vmem>>) dst(%dma_wait3A_364 : memref<10240x32xf32, #tpu.memory_space<vmem_shared>>)
      } else {
      }
      %lt3A_166 = arith.constant 80 : i32
      %lt3A_167 = arith.cmpi slt, %add3A_157, %lt3A_166 : i32
      %convert_element_type3A_168 = arith.extui %lt3A_167 : i1 to i32
      %cond3A_169 = arith.constant 0 : i32
      %cond3A_170 = arith.cmpi ne, %convert_element_type3A_168, %cond3A_169 : i32
      scf.if %cond3A_170 {
        %dma_start3A_358 = arith.constant 0 : i32
        %dma_start3A_359 = tpu.memref_slice %arg6[%add3A_157, %dma_start3A_358] : memref<80x128xi32, #tpu.memory_space<vmem>> -> memref<1x128xi32, #tpu.memory_space<vmem>>
        %dma_start3A_360 = tpu.memref_squeeze %dma_start3A_359 : memref<1x128xi32, #tpu.memory_space<vmem>> -> memref<128xi32, #tpu.memory_space<vmem>>
        %dma_start3A_361 = arith.constant 0 : i32
        %dma_start3A_362 = arith.constant 0 : i32
        %dma_start3A_363 = tpu.memref_slice %arg18[%dma_start3A_361, %dma_start3A_362] : memref<10240x32xf32, #tpu.memory_space<vmem_shared>> -> memref<10240x32xf32, #tpu.memory_space<vmem_shared>>
        tpu.enqueue_indirect_dma source(%dma_start3A_363 : memref<10240x32xf32, #tpu.memory_space<vmem_shared>>) target(%arg13 : memref<128x32xf32, #tpu.memory_space<vmem>>) offsets(%dma_start3A_360 : memref<128xi32, #tpu.memory_space<vmem>>) semaphore(%arg24 : memref<!tpu.dma_semaphore, #tpu.memory_space<semaphore_mem>>)
      } else {
      }
      %mul3A_171 = arith.constant 8 : i32
      %mul3A_172 = arith.muli %scan3A_112, %mul3A_171 : i32
      %add3A_173 = arith.constant 2 : i32
      %add3A_174 = arith.addi %mul3A_172, %add3A_173 : i32
      %dma_wait3A_175 = arith.constant 0 : i32
      %dma_wait3A_176 = tpu.memref_slice %arg6[%add3A_174, %dma_wait3A_175] : memref<80x128xi32, #tpu.memory_space<vmem>> -> memref<1x128xi32, #tpu.memory_space<vmem>>
      %dma_wait3A_177 = tpu.memref_squeeze %dma_wait3A_176 : memref<1x128xi32, #tpu.memory_space<vmem>> -> memref<128xi32, #tpu.memory_space<vmem>>
      %dma_wait3A_178 = arith.constant 0 : i32
      %dma_wait3A_179 = arith.constant 0 : i32
      %dma_wait3A_180 = tpu.memref_slice %arg18[%dma_wait3A_178, %dma_wait3A_179] : memref<10240x32xf32, #tpu.memory_space<vmem_shared>> -> memref<10240x32xf32, #tpu.memory_space<vmem_shared>>
      tpu.wait_indirect_dma semaphore(%arg21 : memref<!tpu.dma_semaphore, #tpu.memory_space<semaphore_mem>>) src(%dma_wait3A_180 : memref<10240x32xf32, #tpu.memory_space<vmem_shared>>) dst(%arg10 : memref<128x32xf32, #tpu.memory_space<vmem>>)
      %dma_start3A_181 = arith.constant 0 : i32
      %dma_start3A_182 = tpu.memref_slice %arg7[%add3A_174, %dma_start3A_181] : memref<80x128xi32, #tpu.memory_space<vmem>> -> memref<1x128xi32, #tpu.memory_space<vmem>>
      %dma_start3A_183 = tpu.memref_squeeze %dma_start3A_182 : memref<1x128xi32, #tpu.memory_space<vmem>> -> memref<128xi32, #tpu.memory_space<vmem>>
      %dma_start3A_184 = arith.constant 0 : i32
      %dma_start3A_185 = arith.constant 0 : i32
      %dma_start3A_186 = tpu.memref_slice %arg17[%dma_start3A_184, %dma_start3A_185] : memref<10240x32xf32, #tpu.memory_space<vmem_shared>> -> memref<10240x32xf32, #tpu.memory_space<vmem_shared>>
      tpu.enqueue_indirect_dma source(%arg10 : memref<128x32xf32, #tpu.memory_space<vmem>>) target(%dma_start3A_186 : memref<10240x32xf32, #tpu.memory_space<vmem_shared>>) offsets(%dma_start3A_183 : memref<128xi32, #tpu.memory_space<vmem>>) semaphore(%arg29 : memref<!tpu.dma_semaphore, #tpu.memory_space<semaphore_mem>>) {add = true}
      %add3A_187 = arith.constant 4 : i32
      %add3A_188 = arith.addi %add3A_174, %add3A_187 : i32
      %ge3A_189 = arith.constant 8 : i32
      %ge3A_190 = arith.cmpi sge, %add3A_188, %ge3A_189 : i32
      %lt3A_191 = arith.constant 80 : i32
      %lt3A_192 = arith.cmpi slt, %add3A_188, %lt3A_191 : i32
      %and3A_193 = arith.andi %ge3A_190, %lt3A_192 : i1
      %convert_element_type3A_194 = arith.extui %and3A_193 : i1 to i32
      %cond3A_195 = arith.constant 0 : i32
      %cond3A_196 = arith.cmpi ne, %convert_element_type3A_194, %cond3A_195 : i32
      scf.if %cond3A_196 {
        %dma_wait3A_358 = arith.constant 0 : i32
        %dma_wait3A_359 = arith.constant 0 : i32
        %dma_wait3A_360 = tpu.memref_slice %arg7[%dma_wait3A_358, %dma_wait3A_359] : memref<80x128xi32, #tpu.memory_space<vmem>> -> memref<1x128xi32, #tpu.memory_space<vmem>>
        %dma_wait3A_361 = tpu.memref_squeeze %dma_wait3A_360 : memref<1x128xi32, #tpu.memory_space<vmem>> -> memref<128xi32, #tpu.memory_space<vmem>>
        %dma_wait3A_362 = arith.constant 0 : i32
        %dma_wait3A_363 = arith.constant 0 : i32
        %dma_wait3A_364 = tpu.memref_slice %arg17[%dma_wait3A_362, %dma_wait3A_363] : memref<10240x32xf32, #tpu.memory_space<vmem_shared>> -> memref<10240x32xf32, #tpu.memory_space<vmem_shared>>
        tpu.wait_indirect_dma semaphore(%arg33 : memref<!tpu.dma_semaphore, #tpu.memory_space<semaphore_mem>>) src(%arg14 : memref<128x32xf32, #tpu.memory_space<vmem>>) dst(%dma_wait3A_364 : memref<10240x32xf32, #tpu.memory_space<vmem_shared>>)
      } else {
      }
      %lt3A_197 = arith.constant 80 : i32
      %lt3A_198 = arith.cmpi slt, %add3A_188, %lt3A_197 : i32
      %convert_element_type3A_199 = arith.extui %lt3A_198 : i1 to i32
      %cond3A_200 = arith.constant 0 : i32
      %cond3A_201 = arith.cmpi ne, %convert_element_type3A_199, %cond3A_200 : i32
      scf.if %cond3A_201 {
        %dma_start3A_358 = arith.constant 0 : i32
        %dma_start3A_359 = tpu.memref_slice %arg6[%add3A_188, %dma_start3A_358] : memref<80x128xi32, #tpu.memory_space<vmem>> -> memref<1x128xi32, #tpu.memory_space<vmem>>
        %dma_start3A_360 = tpu.memref_squeeze %dma_start3A_359 : memref<1x128xi32, #tpu.memory_space<vmem>> -> memref<128xi32, #tpu.memory_space<vmem>>
        %dma_start3A_361 = arith.constant 0 : i32
        %dma_start3A_362 = arith.constant 0 : i32
        %dma_start3A_363 = tpu.memref_slice %arg18[%dma_start3A_361, %dma_start3A_362] : memref<10240x32xf32, #tpu.memory_space<vmem_shared>> -> memref<10240x32xf32, #tpu.memory_space<vmem_shared>>
        tpu.enqueue_indirect_dma source(%dma_start3A_363 : memref<10240x32xf32, #tpu.memory_space<vmem_shared>>) target(%arg14 : memref<128x32xf32, #tpu.memory_space<vmem>>) offsets(%dma_start3A_360 : memref<128xi32, #tpu.memory_space<vmem>>) semaphore(%arg25 : memref<!tpu.dma_semaphore, #tpu.memory_space<semaphore_mem>>)
      } else {
      }
      %mul3A_202 = arith.constant 8 : i32
      %mul3A_203 = arith.muli %scan3A_112, %mul3A_202 : i32
      %add3A_204 = arith.constant 3 : i32
      %add3A_205 = arith.addi %mul3A_203, %add3A_204 : i32
      %dma_wait3A_206 = arith.constant 0 : i32
      %dma_wait3A_207 = tpu.memref_slice %arg6[%add3A_205, %dma_wait3A_206] : memref<80x128xi32, #tpu.memory_space<vmem>> -> memref<1x128xi32, #tpu.memory_space<vmem>>
      %dma_wait3A_208 = tpu.memref_squeeze %dma_wait3A_207 : memref<1x128xi32, #tpu.memory_space<vmem>> -> memref<128xi32, #tpu.memory_space<vmem>>
      %dma_wait3A_209 = arith.constant 0 : i32
      %dma_wait3A_210 = arith.constant 0 : i32
      %dma_wait3A_211 = tpu.memref_slice %arg18[%dma_wait3A_209, %dma_wait3A_210] : memref<10240x32xf32, #tpu.memory_space<vmem_shared>> -> memref<10240x32xf32, #tpu.memory_space<vmem_shared>>
      tpu.wait_indirect_dma semaphore(%arg22 : memref<!tpu.dma_semaphore, #tpu.memory_space<semaphore_mem>>) src(%dma_wait3A_211 : memref<10240x32xf32, #tpu.memory_space<vmem_shared>>) dst(%arg11 : memref<128x32xf32, #tpu.memory_space<vmem>>)
      %dma_start3A_212 = arith.constant 0 : i32
      %dma_start3A_213 = tpu.memref_slice %arg7[%add3A_205, %dma_start3A_212] : memref<80x128xi32, #tpu.memory_space<vmem>> -> memref<1x128xi32, #tpu.memory_space<vmem>>
      %dma_start3A_214 = tpu.memref_squeeze %dma_start3A_213 : memref<1x128xi32, #tpu.memory_space<vmem>> -> memref<128xi32, #tpu.memory_space<vmem>>
      %dma_start3A_215 = arith.constant 0 : i32
      %dma_start3A_216 = arith.constant 0 : i32
      %dma_start3A_217 = tpu.memref_slice %arg17[%dma_start3A_215, %dma_start3A_216] : memref<10240x32xf32, #tpu.memory_space<vmem_shared>> -> memref<10240x32xf32, #tpu.memory_space<vmem_shared>>
      tpu.enqueue_indirect_dma source(%arg11 : memref<128x32xf32, #tpu.memory_space<vmem>>) target(%dma_start3A_217 : memref<10240x32xf32, #tpu.memory_space<vmem_shared>>) offsets(%dma_start3A_214 : memref<128xi32, #tpu.memory_space<vmem>>) semaphore(%arg30 : memref<!tpu.dma_semaphore, #tpu.memory_space<semaphore_mem>>) {add = true}
      %add3A_218 = arith.constant 4 : i32
      %add3A_219 = arith.addi %add3A_205, %add3A_218 : i32
      %ge3A_220 = arith.constant 8 : i32
      %ge3A_221 = arith.cmpi sge, %add3A_219, %ge3A_220 : i32
      %lt3A_222 = arith.constant 80 : i32
      %lt3A_223 = arith.cmpi slt, %add3A_219, %lt3A_222 : i32
      %and3A_224 = arith.andi %ge3A_221, %lt3A_223 : i1
      %convert_element_type3A_225 = arith.extui %and3A_224 : i1 to i32
      %cond3A_226 = arith.constant 0 : i32
      %cond3A_227 = arith.cmpi ne, %convert_element_type3A_225, %cond3A_226 : i32
      scf.if %cond3A_227 {
        %dma_wait3A_358 = arith.constant 0 : i32
        %dma_wait3A_359 = arith.constant 0 : i32
        %dma_wait3A_360 = tpu.memref_slice %arg7[%dma_wait3A_358, %dma_wait3A_359] : memref<80x128xi32, #tpu.memory_space<vmem>> -> memref<1x128xi32, #tpu.memory_space<vmem>>
        %dma_wait3A_361 = tpu.memref_squeeze %dma_wait3A_360 : memref<1x128xi32, #tpu.memory_space<vmem>> -> memref<128xi32, #tpu.memory_space<vmem>>
        %dma_wait3A_362 = arith.constant 0 : i32
        %dma_wait3A_363 = arith.constant 0 : i32
        %dma_wait3A_364 = tpu.memref_slice %arg17[%dma_wait3A_362, %dma_wait3A_363] : memref<10240x32xf32, #tpu.memory_space<vmem_shared>> -> memref<10240x32xf32, #tpu.memory_space<vmem_shared>>
        tpu.wait_indirect_dma semaphore(%arg34 : memref<!tpu.dma_semaphore, #tpu.memory_space<semaphore_mem>>) src(%arg15 : memref<128x32xf32, #tpu.memory_space<vmem>>) dst(%dma_wait3A_364 : memref<10240x32xf32, #tpu.memory_space<vmem_shared>>)
      } else {
      }
      %lt3A_228 = arith.constant 80 : i32
      %lt3A_229 = arith.cmpi slt, %add3A_219, %lt3A_228 : i32
      %convert_element_type3A_230 = arith.extui %lt3A_229 : i1 to i32
      %cond3A_231 = arith.constant 0 : i32
      %cond3A_232 = arith.cmpi ne, %convert_element_type3A_230, %cond3A_231 : i32
      scf.if %cond3A_232 {
        %dma_start3A_358 = arith.constant 0 : i32
        %dma_start3A_359 = tpu.memref_slice %arg6[%add3A_219, %dma_start3A_358] : memref<80x128xi32, #tpu.memory_space<vmem>> -> memref<1x128xi32, #tpu.memory_space<vmem>>
        %dma_start3A_360 = tpu.memref_squeeze %dma_start3A_359 : memref<1x128xi32, #tpu.memory_space<vmem>> -> memref<128xi32, #tpu.memory_space<vmem>>
        %dma_start3A_361 = arith.constant 0 : i32
        %dma_start3A_362 = arith.constant 0 : i32
        %dma_start3A_363 = tpu.memref_slice %arg18[%dma_start3A_361, %dma_start3A_362] : memref<10240x32xf32, #tpu.memory_space<vmem_shared>> -> memref<10240x32xf32, #tpu.memory_space<vmem_shared>>
        tpu.enqueue_indirect_dma source(%dma_start3A_363 : memref<10240x32xf32, #tpu.memory_space<vmem_shared>>) target(%arg15 : memref<128x32xf32, #tpu.memory_space<vmem>>) offsets(%dma_start3A_360 : memref<128xi32, #tpu.memory_space<vmem>>) semaphore(%arg26 : memref<!tpu.dma_semaphore, #tpu.memory_space<semaphore_mem>>)
      } else {
      }
      %mul3A_233 = arith.constant 8 : i32
      %mul3A_234 = arith.muli %scan3A_112, %mul3A_233 : i32
      %add3A_235 = arith.constant 4 : i32
      %add3A_236 = arith.addi %mul3A_234, %add3A_235 : i32
      %dma_wait3A_237 = arith.constant 0 : i32
      %dma_wait3A_238 = tpu.memref_slice %arg6[%add3A_236, %dma_wait3A_237] : memref<80x128xi32, #tpu.memory_space<vmem>> -> memref<1x128xi32, #tpu.memory_space<vmem>>
      %dma_wait3A_239 = tpu.memref_squeeze %dma_wait3A_238 : memref<1x128xi32, #tpu.memory_space<vmem>> -> memref<128xi32, #tpu.memory_space<vmem>>
      %dma_wait3A_240 = arith.constant 0 : i32
      %dma_wait3A_241 = arith.constant 0 : i32
      %dma_wait3A_242 = tpu.memref_slice %arg18[%dma_wait3A_240, %dma_wait3A_241] : memref<10240x32xf32, #tpu.memory_space<vmem_shared>> -> memref<10240x32xf32, #tpu.memory_space<vmem_shared>>
      tpu.wait_indirect_dma semaphore(%arg23 : memref<!tpu.dma_semaphore, #tpu.memory_space<semaphore_mem>>) src(%dma_wait3A_242 : memref<10240x32xf32, #tpu.memory_space<vmem_shared>>) dst(%arg12 : memref<128x32xf32, #tpu.memory_space<vmem>>)
      %dma_start3A_243 = arith.constant 0 : i32
      %dma_start3A_244 = tpu.memref_slice %arg7[%add3A_236, %dma_start3A_243] : memref<80x128xi32, #tpu.memory_space<vmem>> -> memref<1x128xi32, #tpu.memory_space<vmem>>
      %dma_start3A_245 = tpu.memref_squeeze %dma_start3A_244 : memref<1x128xi32, #tpu.memory_space<vmem>> -> memref<128xi32, #tpu.memory_space<vmem>>
      %dma_start3A_246 = arith.constant 0 : i32
      %dma_start3A_247 = arith.constant 0 : i32
      %dma_start3A_248 = tpu.memref_slice %arg17[%dma_start3A_246, %dma_start3A_247] : memref<10240x32xf32, #tpu.memory_space<vmem_shared>> -> memref<10240x32xf32, #tpu.memory_space<vmem_shared>>
      tpu.enqueue_indirect_dma source(%arg12 : memref<128x32xf32, #tpu.memory_space<vmem>>) target(%dma_start3A_248 : memref<10240x32xf32, #tpu.memory_space<vmem_shared>>) offsets(%dma_start3A_245 : memref<128xi32, #tpu.memory_space<vmem>>) semaphore(%arg31 : memref<!tpu.dma_semaphore, #tpu.memory_space<semaphore_mem>>) {add = true}
      %add3A_249 = arith.constant 4 : i32
      %add3A_250 = arith.addi %add3A_236, %add3A_249 : i32
      %ge3A_251 = arith.constant 8 : i32
      %ge3A_252 = arith.cmpi sge, %add3A_250, %ge3A_251 : i32
      %lt3A_253 = arith.constant 80 : i32
      %lt3A_254 = arith.cmpi slt, %add3A_250, %lt3A_253 : i32
      %and3A_255 = arith.andi %ge3A_252, %lt3A_254 : i1
      %convert_element_type3A_256 = arith.extui %and3A_255 : i1 to i32
      %cond3A_257 = arith.constant 0 : i32
      %cond3A_258 = arith.cmpi ne, %convert_element_type3A_256, %cond3A_257 : i32
      scf.if %cond3A_258 {
        %dma_wait3A_358 = arith.constant 0 : i32
        %dma_wait3A_359 = arith.constant 0 : i32
        %dma_wait3A_360 = tpu.memref_slice %arg7[%dma_wait3A_358, %dma_wait3A_359] : memref<80x128xi32, #tpu.memory_space<vmem>> -> memref<1x128xi32, #tpu.memory_space<vmem>>
        %dma_wait3A_361 = tpu.memref_squeeze %dma_wait3A_360 : memref<1x128xi32, #tpu.memory_space<vmem>> -> memref<128xi32, #tpu.memory_space<vmem>>
        %dma_wait3A_362 = arith.constant 0 : i32
        %dma_wait3A_363 = arith.constant 0 : i32
        %dma_wait3A_364 = tpu.memref_slice %arg17[%dma_wait3A_362, %dma_wait3A_363] : memref<10240x32xf32, #tpu.memory_space<vmem_shared>> -> memref<10240x32xf32, #tpu.memory_space<vmem_shared>>
        tpu.wait_indirect_dma semaphore(%arg27 : memref<!tpu.dma_semaphore, #tpu.memory_space<semaphore_mem>>) src(%arg8 : memref<128x32xf32, #tpu.memory_space<vmem>>) dst(%dma_wait3A_364 : memref<10240x32xf32, #tpu.memory_space<vmem_shared>>)
      } else {
      }
      %lt3A_259 = arith.constant 80 : i32
      %lt3A_260 = arith.cmpi slt, %add3A_250, %lt3A_259 : i32
      %convert_element_type3A_261 = arith.extui %lt3A_260 : i1 to i32
      %cond3A_262 = arith.constant 0 : i32
      %cond3A_263 = arith.cmpi ne, %convert_element_type3A_261, %cond3A_262 : i32
      scf.if %cond3A_263 {
        %dma_start3A_358 = arith.constant 0 : i32
        %dma_start3A_359 = tpu.memref_slice %arg6[%add3A_250, %dma_start3A_358] : memref<80x128xi32, #tpu.memory_space<vmem>> -> memref<1x128xi32, #tpu.memory_space<vmem>>
        %dma_start3A_360 = tpu.memref_squeeze %dma_start3A_359 : memref<1x128xi32, #tpu.memory_space<vmem>> -> memref<128xi32, #tpu.memory_space<vmem>>
        %dma_start3A_361 = arith.constant 0 : i32
        %dma_start3A_362 = arith.constant 0 : i32
        %dma_start3A_363 = tpu.memref_slice %arg18[%dma_start3A_361, %dma_start3A_362] : memref<10240x32xf32, #tpu.memory_space<vmem_shared>> -> memref<10240x32xf32, #tpu.memory_space<vmem_shared>>
        tpu.enqueue_indirect_dma source(%dma_start3A_363 : memref<10240x32xf32, #tpu.memory_space<vmem_shared>>) target(%arg8 : memref<128x32xf32, #tpu.memory_space<vmem>>) offsets(%dma_start3A_360 : memref<128xi32, #tpu.memory_space<vmem>>) semaphore(%arg19 : memref<!tpu.dma_semaphore, #tpu.memory_space<semaphore_mem>>)
      } else {
      }
      %mul3A_264 = arith.constant 8 : i32
      %mul3A_265 = arith.muli %scan3A_112, %mul3A_264 : i32
      %add3A_266 = arith.constant 5 : i32
      %add3A_267 = arith.addi %mul3A_265, %add3A_266 : i32
      %dma_wait3A_268 = arith.constant 0 : i32
      %dma_wait3A_269 = tpu.memref_slice %arg6[%add3A_267, %dma_wait3A_268] : memref<80x128xi32, #tpu.memory_space<vmem>> -> memref<1x128xi32, #tpu.memory_space<vmem>>
      %dma_wait3A_270 = tpu.memref_squeeze %dma_wait3A_269 : memref<1x128xi32, #tpu.memory_space<vmem>> -> memref<128xi32, #tpu.memory_space<vmem>>
      %dma_wait3A_271 = arith.constant 0 : i32
      %dma_wait3A_272 = arith.constant 0 : i32
      %dma_wait3A_273 = tpu.memref_slice %arg18[%dma_wait3A_271, %dma_wait3A_272] : memref<10240x32xf32, #tpu.memory_space<vmem_shared>> -> memref<10240x32xf32, #tpu.memory_space<vmem_shared>>
      tpu.wait_indirect_dma semaphore(%arg24 : memref<!tpu.dma_semaphore, #tpu.memory_space<semaphore_mem>>) src(%dma_wait3A_273 : memref<10240x32xf32, #tpu.memory_space<vmem_shared>>) dst(%arg13 : memref<128x32xf32, #tpu.memory_space<vmem>>)
      %dma_start3A_274 = arith.constant 0 : i32
      %dma_start3A_275 = tpu.memref_slice %arg7[%add3A_267, %dma_start3A_274] : memref<80x128xi32, #tpu.memory_space<vmem>> -> memref<1x128xi32, #tpu.memory_space<vmem>>
      %dma_start3A_276 = tpu.memref_squeeze %dma_start3A_275 : memref<1x128xi32, #tpu.memory_space<vmem>> -> memref<128xi32, #tpu.memory_space<vmem>>
      %dma_start3A_277 = arith.constant 0 : i32
      %dma_start3A_278 = arith.constant 0 : i32
      %dma_start3A_279 = tpu.memref_slice %arg17[%dma_start3A_277, %dma_start3A_278] : memref<10240x32xf32, #tpu.memory_space<vmem_shared>> -> memref<10240x32xf32, #tpu.memory_space<vmem_shared>>
      tpu.enqueue_indirect_dma source(%arg13 : memref<128x32xf32, #tpu.memory_space<vmem>>) target(%dma_start3A_279 : memref<10240x32xf32, #tpu.memory_space<vmem_shared>>) offsets(%dma_start3A_276 : memref<128xi32, #tpu.memory_space<vmem>>) semaphore(%arg32 : memref<!tpu.dma_semaphore, #tpu.memory_space<semaphore_mem>>) {add = true}
      %add3A_280 = arith.constant 4 : i32
      %add3A_281 = arith.addi %add3A_267, %add3A_280 : i32
      %ge3A_282 = arith.constant 8 : i32
      %ge3A_283 = arith.cmpi sge, %add3A_281, %ge3A_282 : i32
      %lt3A_284 = arith.constant 80 : i32
      %lt3A_285 = arith.cmpi slt, %add3A_281, %lt3A_284 : i32
      %and3A_286 = arith.andi %ge3A_283, %lt3A_285 : i1
      %convert_element_type3A_287 = arith.extui %and3A_286 : i1 to i32
      %cond3A_288 = arith.constant 0 : i32
      %cond3A_289 = arith.cmpi ne, %convert_element_type3A_287, %cond3A_288 : i32
      scf.if %cond3A_289 {
        %dma_wait3A_358 = arith.constant 0 : i32
        %dma_wait3A_359 = arith.constant 0 : i32
        %dma_wait3A_360 = tpu.memref_slice %arg7[%dma_wait3A_358, %dma_wait3A_359] : memref<80x128xi32, #tpu.memory_space<vmem>> -> memref<1x128xi32, #tpu.memory_space<vmem>>
        %dma_wait3A_361 = tpu.memref_squeeze %dma_wait3A_360 : memref<1x128xi32, #tpu.memory_space<vmem>> -> memref<128xi32, #tpu.memory_space<vmem>>
        %dma_wait3A_362 = arith.constant 0 : i32
        %dma_wait3A_363 = arith.constant 0 : i32
        %dma_wait3A_364 = tpu.memref_slice %arg17[%dma_wait3A_362, %dma_wait3A_363] : memref<10240x32xf32, #tpu.memory_space<vmem_shared>> -> memref<10240x32xf32, #tpu.memory_space<vmem_shared>>
        tpu.wait_indirect_dma semaphore(%arg28 : memref<!tpu.dma_semaphore, #tpu.memory_space<semaphore_mem>>) src(%arg9 : memref<128x32xf32, #tpu.memory_space<vmem>>) dst(%dma_wait3A_364 : memref<10240x32xf32, #tpu.memory_space<vmem_shared>>)
      } else {
      }
      %lt3A_290 = arith.constant 80 : i32
      %lt3A_291 = arith.cmpi slt, %add3A_281, %lt3A_290 : i32
      %convert_element_type3A_292 = arith.extui %lt3A_291 : i1 to i32
      %cond3A_293 = arith.constant 0 : i32
      %cond3A_294 = arith.cmpi ne, %convert_element_type3A_292, %cond3A_293 : i32
      scf.if %cond3A_294 {
        %dma_start3A_358 = arith.constant 0 : i32
        %dma_start3A_359 = tpu.memref_slice %arg6[%add3A_281, %dma_start3A_358] : memref<80x128xi32, #tpu.memory_space<vmem>> -> memref<1x128xi32, #tpu.memory_space<vmem>>
        %dma_start3A_360 = tpu.memref_squeeze %dma_start3A_359 : memref<1x128xi32, #tpu.memory_space<vmem>> -> memref<128xi32, #tpu.memory_space<vmem>>
        %dma_start3A_361 = arith.constant 0 : i32
        %dma_start3A_362 = arith.constant 0 : i32
        %dma_start3A_363 = tpu.memref_slice %arg18[%dma_start3A_361, %dma_start3A_362] : memref<10240x32xf32, #tpu.memory_space<vmem_shared>> -> memref<10240x32xf32, #tpu.memory_space<vmem_shared>>
        tpu.enqueue_indirect_dma source(%dma_start3A_363 : memref<10240x32xf32, #tpu.memory_space<vmem_shared>>) target(%arg9 : memref<128x32xf32, #tpu.memory_space<vmem>>) offsets(%dma_start3A_360 : memref<128xi32, #tpu.memory_space<vmem>>) semaphore(%arg20 : memref<!tpu.dma_semaphore, #tpu.memory_space<semaphore_mem>>)
      } else {
      }
      %mul3A_295 = arith.constant 8 : i32
      %mul3A_296 = arith.muli %scan3A_112, %mul3A_295 : i32
      %add3A_297 = arith.constant 6 : i32
      %add3A_298 = arith.addi %mul3A_296, %add3A_297 : i32
      %dma_wait3A_299 = arith.constant 0 : i32
      %dma_wait3A_300 = tpu.memref_slice %arg6[%add3A_298, %dma_wait3A_299] : memref<80x128xi32, #tpu.memory_space<vmem>> -> memref<1x128xi32, #tpu.memory_space<vmem>>
      %dma_wait3A_301 = tpu.memref_squeeze %dma_wait3A_300 : memref<1x128xi32, #tpu.memory_space<vmem>> -> memref<128xi32, #tpu.memory_space<vmem>>
      %dma_wait3A_302 = arith.constant 0 : i32
      %dma_wait3A_303 = arith.constant 0 : i32
      %dma_wait3A_304 = tpu.memref_slice %arg18[%dma_wait3A_302, %dma_wait3A_303] : memref<10240x32xf32, #tpu.memory_space<vmem_shared>> -> memref<10240x32xf32, #tpu.memory_space<vmem_shared>>
      tpu.wait_indirect_dma semaphore(%arg25 : memref<!tpu.dma_semaphore, #tpu.memory_space<semaphore_mem>>) src(%dma_wait3A_304 : memref<10240x32xf32, #tpu.memory_space<vmem_shared>>) dst(%arg14 : memref<128x32xf32, #tpu.memory_space<vmem>>)
      %dma_start3A_305 = arith.constant 0 : i32
      %dma_start3A_306 = tpu.memref_slice %arg7[%add3A_298, %dma_start3A_305] : memref<80x128xi32, #tpu.memory_space<vmem>> -> memref<1x128xi32, #tpu.memory_space<vmem>>
      %dma_start3A_307 = tpu.memref_squeeze %dma_start3A_306 : memref<1x128xi32, #tpu.memory_space<vmem>> -> memref<128xi32, #tpu.memory_space<vmem>>
      %dma_start3A_308 = arith.constant 0 : i32
      %dma_start3A_309 = arith.constant 0 : i32
      %dma_start3A_310 = tpu.memref_slice %arg17[%dma_start3A_308, %dma_start3A_309] : memref<10240x32xf32, #tpu.memory_space<vmem_shared>> -> memref<10240x32xf32, #tpu.memory_space<vmem_shared>>
      tpu.enqueue_indirect_dma source(%arg14 : memref<128x32xf32, #tpu.memory_space<vmem>>) target(%dma_start3A_310 : memref<10240x32xf32, #tpu.memory_space<vmem_shared>>) offsets(%dma_start3A_307 : memref<128xi32, #tpu.memory_space<vmem>>) semaphore(%arg33 : memref<!tpu.dma_semaphore, #tpu.memory_space<semaphore_mem>>) {add = true}
      %add3A_311 = arith.constant 4 : i32
      %add3A_312 = arith.addi %add3A_298, %add3A_311 : i32
      %ge3A_313 = arith.constant 8 : i32
      %ge3A_314 = arith.cmpi sge, %add3A_312, %ge3A_313 : i32
      %lt3A_315 = arith.constant 80 : i32
      %lt3A_316 = arith.cmpi slt, %add3A_312, %lt3A_315 : i32
      %and3A_317 = arith.andi %ge3A_314, %lt3A_316 : i1
      %convert_element_type3A_318 = arith.extui %and3A_317 : i1 to i32
      %cond3A_319 = arith.constant 0 : i32
      %cond3A_320 = arith.cmpi ne, %convert_element_type3A_318, %cond3A_319 : i32
      scf.if %cond3A_320 {
        %dma_wait3A_358 = arith.constant 0 : i32
        %dma_wait3A_359 = arith.constant 0 : i32
        %dma_wait3A_360 = tpu.memref_slice %arg7[%dma_wait3A_358, %dma_wait3A_359] : memref<80x128xi32, #tpu.memory_space<vmem>> -> memref<1x128xi32, #tpu.memory_space<vmem>>
        %dma_wait3A_361 = tpu.memref_squeeze %dma_wait3A_360 : memref<1x128xi32, #tpu.memory_space<vmem>> -> memref<128xi32, #tpu.memory_space<vmem>>
        %dma_wait3A_362 = arith.constant 0 : i32
        %dma_wait3A_363 = arith.constant 0 : i32
        %dma_wait3A_364 = tpu.memref_slice %arg17[%dma_wait3A_362, %dma_wait3A_363] : memref<10240x32xf32, #tpu.memory_space<vmem_shared>> -> memref<10240x32xf32, #tpu.memory_space<vmem_shared>>
        tpu.wait_indirect_dma semaphore(%arg29 : memref<!tpu.dma_semaphore, #tpu.memory_space<semaphore_mem>>) src(%arg10 : memref<128x32xf32, #tpu.memory_space<vmem>>) dst(%dma_wait3A_364 : memref<10240x32xf32, #tpu.memory_space<vmem_shared>>)
      } else {
      }
      %lt3A_321 = arith.constant 80 : i32
      %lt3A_322 = arith.cmpi slt, %add3A_312, %lt3A_321 : i32
      %convert_element_type3A_323 = arith.extui %lt3A_322 : i1 to i32
      %cond3A_324 = arith.constant 0 : i32
      %cond3A_325 = arith.cmpi ne, %convert_element_type3A_323, %cond3A_324 : i32
      scf.if %cond3A_325 {
        %dma_start3A_358 = arith.constant 0 : i32
        %dma_start3A_359 = tpu.memref_slice %arg6[%add3A_312, %dma_start3A_358] : memref<80x128xi32, #tpu.memory_space<vmem>> -> memref<1x128xi32, #tpu.memory_space<vmem>>
        %dma_start3A_360 = tpu.memref_squeeze %dma_start3A_359 : memref<1x128xi32, #tpu.memory_space<vmem>> -> memref<128xi32, #tpu.memory_space<vmem>>
        %dma_start3A_361 = arith.constant 0 : i32
        %dma_start3A_362 = arith.constant 0 : i32
        %dma_start3A_363 = tpu.memref_slice %arg18[%dma_start3A_361, %dma_start3A_362] : memref<10240x32xf32, #tpu.memory_space<vmem_shared>> -> memref<10240x32xf32, #tpu.memory_space<vmem_shared>>
        tpu.enqueue_indirect_dma source(%dma_start3A_363 : memref<10240x32xf32, #tpu.memory_space<vmem_shared>>) target(%arg10 : memref<128x32xf32, #tpu.memory_space<vmem>>) offsets(%dma_start3A_360 : memref<128xi32, #tpu.memory_space<vmem>>) semaphore(%arg21 : memref<!tpu.dma_semaphore, #tpu.memory_space<semaphore_mem>>)
      } else {
      }
      %mul3A_326 = arith.constant 8 : i32
      %mul3A_327 = arith.muli %scan3A_112, %mul3A_326 : i32
      %add3A_328 = arith.constant 7 : i32
      %add3A_329 = arith.addi %mul3A_327, %add3A_328 : i32
      %dma_wait3A_330 = arith.constant 0 : i32
      %dma_wait3A_331 = tpu.memref_slice %arg6[%add3A_329, %dma_wait3A_330] : memref<80x128xi32, #tpu.memory_space<vmem>> -> memref<1x128xi32, #tpu.memory_space<vmem>>
      %dma_wait3A_332 = tpu.memref_squeeze %dma_wait3A_331 : memref<1x128xi32, #tpu.memory_space<vmem>> -> memref<128xi32, #tpu.memory_space<vmem>>
      %dma_wait3A_333 = arith.constant 0 : i32
      %dma_wait3A_334 = arith.constant 0 : i32
      %dma_wait3A_335 = tpu.memref_slice %arg18[%dma_wait3A_333, %dma_wait3A_334] : memref<10240x32xf32, #tpu.memory_space<vmem_shared>> -> memref<10240x32xf32, #tpu.memory_space<vmem_shared>>
      tpu.wait_indirect_dma semaphore(%arg26 : memref<!tpu.dma_semaphore, #tpu.memory_space<semaphore_mem>>) src(%dma_wait3A_335 : memref<10240x32xf32, #tpu.memory_space<vmem_shared>>) dst(%arg15 : memref<128x32xf32, #tpu.memory_space<vmem>>)
      %dma_start3A_336 = arith.constant 0 : i32
      %dma_start3A_337 = tpu.memref_slice %arg7[%add3A_329, %dma_start3A_336] : memref<80x128xi32, #tpu.memory_space<vmem>> -> memref<1x128xi32, #tpu.memory_space<vmem>>
      %dma_start3A_338 = tpu.memref_squeeze %dma_start3A_337 : memref<1x128xi32, #tpu.memory_space<vmem>> -> memref<128xi32, #tpu.memory_space<vmem>>
      %dma_start3A_339 = arith.constant 0 : i32
      %dma_start3A_340 = arith.constant 0 : i32
      %dma_start3A_341 = tpu.memref_slice %arg17[%dma_start3A_339, %dma_start3A_340] : memref<10240x32xf32, #tpu.memory_space<vmem_shared>> -> memref<10240x32xf32, #tpu.memory_space<vmem_shared>>
      tpu.enqueue_indirect_dma source(%arg15 : memref<128x32xf32, #tpu.memory_space<vmem>>) target(%dma_start3A_341 : memref<10240x32xf32, #tpu.memory_space<vmem_shared>>) offsets(%dma_start3A_338 : memref<128xi32, #tpu.memory_space<vmem>>) semaphore(%arg34 : memref<!tpu.dma_semaphore, #tpu.memory_space<semaphore_mem>>) {add = true}
      %add3A_342 = arith.constant 4 : i32
      %add3A_343 = arith.addi %add3A_329, %add3A_342 : i32
      %ge3A_344 = arith.constant 8 : i32
      %ge3A_345 = arith.cmpi sge, %add3A_343, %ge3A_344 : i32
      %lt3A_346 = arith.constant 80 : i32
      %lt3A_347 = arith.cmpi slt, %add3A_343, %lt3A_346 : i32
      %and3A_348 = arith.andi %ge3A_345, %lt3A_347 : i1
      %convert_element_type3A_349 = arith.extui %and3A_348 : i1 to i32
      %cond3A_350 = arith.constant 0 : i32
      %cond3A_351 = arith.cmpi ne, %convert_element_type3A_349, %cond3A_350 : i32
      scf.if %cond3A_351 {
        %dma_wait3A_358 = arith.constant 0 : i32
        %dma_wait3A_359 = arith.constant 0 : i32
        %dma_wait3A_360 = tpu.memref_slice %arg7[%dma_wait3A_358, %dma_wait3A_359] : memref<80x128xi32, #tpu.memory_space<vmem>> -> memref<1x128xi32, #tpu.memory_space<vmem>>
        %dma_wait3A_361 = tpu.memref_squeeze %dma_wait3A_360 : memref<1x128xi32, #tpu.memory_space<vmem>> -> memref<128xi32, #tpu.memory_space<vmem>>
        %dma_wait3A_362 = arith.constant 0 : i32
        %dma_wait3A_363 = arith.constant 0 : i32
        %dma_wait3A_364 = tpu.memref_slice %arg17[%dma_wait3A_362, %dma_wait3A_363] : memref<10240x32xf32, #tpu.memory_space<vmem_shared>> -> memref<10240x32xf32, #tpu.memory_space<vmem_shared>>
        tpu.wait_indirect_dma semaphore(%arg30 : memref<!tpu.dma_semaphore, #tpu.memory_space<semaphore_mem>>) src(%arg11 : memref<128x32xf32, #tpu.memory_space<vmem>>) dst(%dma_wait3A_364 : memref<10240x32xf32, #tpu.memory_space<vmem_shared>>)
      } else {
      }
      %lt3A_352 = arith.constant 80 : i32
      %lt3A_353 = arith.cmpi slt, %add3A_343, %lt3A_352 : i32
      %convert_element_type3A_354 = arith.extui %lt3A_353 : i1 to i32
      %cond3A_355 = arith.constant 0 : i32
      %cond3A_356 = arith.cmpi ne, %convert_element_type3A_354, %cond3A_355 : i32
      scf.if %cond3A_356 {
        %dma_start3A_358 = arith.constant 0 : i32
        %dma_start3A_359 = tpu.memref_slice %arg6[%add3A_343, %dma_start3A_358] : memref<80x128xi32, #tpu.memory_space<vmem>> -> memref<1x128xi32, #tpu.memory_space<vmem>>
        %dma_start3A_360 = tpu.memref_squeeze %dma_start3A_359 : memref<1x128xi32, #tpu.memory_space<vmem>> -> memref<128xi32, #tpu.memory_space<vmem>>
        %dma_start3A_361 = arith.constant 0 : i32
        %dma_start3A_362 = arith.constant 0 : i32
        %dma_start3A_363 = tpu.memref_slice %arg18[%dma_start3A_361, %dma_start3A_362] : memref<10240x32xf32, #tpu.memory_space<vmem_shared>> -> memref<10240x32xf32, #tpu.memory_space<vmem_shared>>
        tpu.enqueue_indirect_dma source(%dma_start3A_363 : memref<10240x32xf32, #tpu.memory_space<vmem_shared>>) target(%arg11 : memref<128x32xf32, #tpu.memory_space<vmem>>) offsets(%dma_start3A_360 : memref<128xi32, #tpu.memory_space<vmem>>) semaphore(%arg22 : memref<!tpu.dma_semaphore, #tpu.memory_space<semaphore_mem>>)
      } else {
      }
      %scan3A_357 = arith.constant 0 : i32
      scf.yield %scan3A_357 : i32
    }
    %scan3A_51 = arith.constant 10 : i32
    %dma_wait3A = arith.constant 0 : i32
    %dma_wait3A_52 = arith.constant 0 : i32
    %dma_wait3A_53 = tpu.memref_slice %arg7[%dma_wait3A, %dma_wait3A_52] : memref<80x128xi32, #tpu.memory_space<vmem>> -> memref<1x128xi32, #tpu.memory_space<vmem>>
    %dma_wait3A_54 = tpu.memref_squeeze %dma_wait3A_53 : memref<1x128xi32, #tpu.memory_space<vmem>> -> memref<128xi32, #tpu.memory_space<vmem>>
    %dma_wait3A_55 = arith.constant 0 : i32
    %dma_wait3A_56 = arith.constant 0 : i32
    %dma_wait3A_57 = tpu.memref_slice %arg17[%dma_wait3A_55, %dma_wait3A_56] : memref<10240x32xf32, #tpu.memory_space<vmem_shared>> -> memref<10240x32xf32, #tpu.memory_space<vmem_shared>>
    tpu.wait_indirect_dma semaphore(%arg27 : memref<!tpu.dma_semaphore, #tpu.memory_space<semaphore_mem>>) src(%arg8 : memref<128x32xf32, #tpu.memory_space<vmem>>) dst(%dma_wait3A_57 : memref<10240x32xf32, #tpu.memory_space<vmem_shared>>)
    %dma_wait3A_58 = arith.constant 0 : i32
    %dma_wait3A_59 = arith.constant 0 : i32
    %dma_wait3A_60 = tpu.memref_slice %arg7[%dma_wait3A_58, %dma_wait3A_59] : memref<80x128xi32, #tpu.memory_space<vmem>> -> memref<1x128xi32, #tpu.memory_space<vmem>>
    %dma_wait3A_61 = tpu.memref_squeeze %dma_wait3A_60 : memref<1x128xi32, #tpu.memory_space<vmem>> -> memref<128xi32, #tpu.memory_space<vmem>>
    %dma_wait3A_62 = arith.constant 0 : i32
    %dma_wait3A_63 = arith.constant 0 : i32
    %dma_wait3A_64 = tpu.memref_slice %arg17[%dma_wait3A_62, %dma_wait3A_63] : memref<10240x32xf32, #tpu.memory_space<vmem_shared>> -> memref<10240x32xf32, #tpu.memory_space<vmem_shared>>
    tpu.wait_indirect_dma semaphore(%arg28 : memref<!tpu.dma_semaphore, #tpu.memory_space<semaphore_mem>>) src(%arg9 : memref<128x32xf32, #tpu.memory_space<vmem>>) dst(%dma_wait3A_64 : memref<10240x32xf32, #tpu.memory_space<vmem_shared>>)
    %dma_wait3A_65 = arith.constant 0 : i32
    %dma_wait3A_66 = arith.constant 0 : i32
    %dma_wait3A_67 = tpu.memref_slice %arg7[%dma_wait3A_65, %dma_wait3A_66] : memref<80x128xi32, #tpu.memory_space<vmem>> -> memref<1x128xi32, #tpu.memory_space<vmem>>
    %dma_wait3A_68 = tpu.memref_squeeze %dma_wait3A_67 : memref<1x128xi32, #tpu.memory_space<vmem>> -> memref<128xi32, #tpu.memory_space<vmem>>
    %dma_wait3A_69 = arith.constant 0 : i32
    %dma_wait3A_70 = arith.constant 0 : i32
    %dma_wait3A_71 = tpu.memref_slice %arg17[%dma_wait3A_69, %dma_wait3A_70] : memref<10240x32xf32, #tpu.memory_space<vmem_shared>> -> memref<10240x32xf32, #tpu.memory_space<vmem_shared>>
    tpu.wait_indirect_dma semaphore(%arg29 : memref<!tpu.dma_semaphore, #tpu.memory_space<semaphore_mem>>) src(%arg10 : memref<128x32xf32, #tpu.memory_space<vmem>>) dst(%dma_wait3A_71 : memref<10240x32xf32, #tpu.memory_space<vmem_shared>>)
    %dma_wait3A_72 = arith.constant 0 : i32
    %dma_wait3A_73 = arith.constant 0 : i32
    %dma_wait3A_74 = tpu.memref_slice %arg7[%dma_wait3A_72, %dma_wait3A_73] : memref<80x128xi32, #tpu.memory_space<vmem>> -> memref<1x128xi32, #tpu.memory_space<vmem>>
    %dma_wait3A_75 = tpu.memref_squeeze %dma_wait3A_74 : memref<1x128xi32, #tpu.memory_space<vmem>> -> memref<128xi32, #tpu.memory_space<vmem>>
    %dma_wait3A_76 = arith.constant 0 : i32
    %dma_wait3A_77 = arith.constant 0 : i32
    %dma_wait3A_78 = tpu.memref_slice %arg17[%dma_wait3A_76, %dma_wait3A_77] : memref<10240x32xf32, #tpu.memory_space<vmem_shared>> -> memref<10240x32xf32, #tpu.memory_space<vmem_shared>>
    tpu.wait_indirect_dma semaphore(%arg30 : memref<!tpu.dma_semaphore, #tpu.memory_space<semaphore_mem>>) src(%arg11 : memref<128x32xf32, #tpu.memory_space<vmem>>) dst(%dma_wait3A_78 : memref<10240x32xf32, #tpu.memory_space<vmem_shared>>)
    %dma_wait3A_79 = arith.constant 0 : i32
    %dma_wait3A_80 = arith.constant 0 : i32
    %dma_wait3A_81 = tpu.memref_slice %arg7[%dma_wait3A_79, %dma_wait3A_80] : memref<80x128xi32, #tpu.memory_space<vmem>> -> memref<1x128xi32, #tpu.memory_space<vmem>>
    %dma_wait3A_82 = tpu.memref_squeeze %dma_wait3A_81 : memref<1x128xi32, #tpu.memory_space<vmem>> -> memref<128xi32, #tpu.memory_space<vmem>>
    %dma_wait3A_83 = arith.constant 0 : i32
    %dma_wait3A_84 = arith.constant 0 : i32
    %dma_wait3A_85 = tpu.memref_slice %arg17[%dma_wait3A_83, %dma_wait3A_84] : memref<10240x32xf32, #tpu.memory_space<vmem_shared>> -> memref<10240x32xf32, #tpu.memory_space<vmem_shared>>
    tpu.wait_indirect_dma semaphore(%arg31 : memref<!tpu.dma_semaphore, #tpu.memory_space<semaphore_mem>>) src(%arg12 : memref<128x32xf32, #tpu.memory_space<vmem>>) dst(%dma_wait3A_85 : memref<10240x32xf32, #tpu.memory_space<vmem_shared>>)
    %dma_wait3A_86 = arith.constant 0 : i32
    %dma_wait3A_87 = arith.constant 0 : i32
    %dma_wait3A_88 = tpu.memref_slice %arg7[%dma_wait3A_86, %dma_wait3A_87] : memref<80x128xi32, #tpu.memory_space<vmem>> -> memref<1x128xi32, #tpu.memory_space<vmem>>
    %dma_wait3A_89 = tpu.memref_squeeze %dma_wait3A_88 : memref<1x128xi32, #tpu.memory_space<vmem>> -> memref<128xi32, #tpu.memory_space<vmem>>
    %dma_wait3A_90 = arith.constant 0 : i32
    %dma_wait3A_91 = arith.constant 0 : i32
    %dma_wait3A_92 = tpu.memref_slice %arg17[%dma_wait3A_90, %dma_wait3A_91] : memref<10240x32xf32, #tpu.memory_space<vmem_shared>> -> memref<10240x32xf32, #tpu.memory_space<vmem_shared>>
    tpu.wait_indirect_dma semaphore(%arg32 : memref<!tpu.dma_semaphore, #tpu.memory_space<semaphore_mem>>) src(%arg13 : memref<128x32xf32, #tpu.memory_space<vmem>>) dst(%dma_wait3A_92 : memref<10240x32xf32, #tpu.memory_space<vmem_shared>>)
    %dma_wait3A_93 = arith.constant 0 : i32
    %dma_wait3A_94 = arith.constant 0 : i32
    %dma_wait3A_95 = tpu.memref_slice %arg7[%dma_wait3A_93, %dma_wait3A_94] : memref<80x128xi32, #tpu.memory_space<vmem>> -> memref<1x128xi32, #tpu.memory_space<vmem>>
    %dma_wait3A_96 = tpu.memref_squeeze %dma_wait3A_95 : memref<1x128xi32, #tpu.memory_space<vmem>> -> memref<128xi32, #tpu.memory_space<vmem>>
    %dma_wait3A_97 = arith.constant 0 : i32
    %dma_wait3A_98 = arith.constant 0 : i32
    %dma_wait3A_99 = tpu.memref_slice %arg17[%dma_wait3A_97, %dma_wait3A_98] : memref<10240x32xf32, #tpu.memory_space<vmem_shared>> -> memref<10240x32xf32, #tpu.memory_space<vmem_shared>>
    tpu.wait_indirect_dma semaphore(%arg33 : memref<!tpu.dma_semaphore, #tpu.memory_space<semaphore_mem>>) src(%arg14 : memref<128x32xf32, #tpu.memory_space<vmem>>) dst(%dma_wait3A_99 : memref<10240x32xf32, #tpu.memory_space<vmem_shared>>)
    %dma_wait3A_100 = arith.constant 0 : i32
    %dma_wait3A_101 = arith.constant 0 : i32
    %dma_wait3A_102 = tpu.memref_slice %arg7[%dma_wait3A_100, %dma_wait3A_101] : memref<80x128xi32, #tpu.memory_space<vmem>> -> memref<1x128xi32, #tpu.memory_space<vmem>>
    %dma_wait3A_103 = tpu.memref_squeeze %dma_wait3A_102 : memref<1x128xi32, #tpu.memory_space<vmem>> -> memref<128xi32, #tpu.memory_space<vmem>>
    %dma_wait3A_104 = arith.constant 0 : i32
    %dma_wait3A_105 = arith.constant 0 : i32
    %dma_wait3A_106 = tpu.memref_slice %arg17[%dma_wait3A_104, %dma_wait3A_105] : memref<10240x32xf32, #tpu.memory_space<vmem_shared>> -> memref<10240x32xf32, #tpu.memory_space<vmem_shared>>
    tpu.wait_indirect_dma semaphore(%arg34 : memref<!tpu.dma_semaphore, #tpu.memory_space<semaphore_mem>>) src(%arg15 : memref<128x32xf32, #tpu.memory_space<vmem>>) dst(%dma_wait3A_106 : memref<10240x32xf32, #tpu.memory_space<vmem_shared>>)
    %barrier3A_107 = arith.constant 0 : index
    tpu.barrier barrier_id(%barrier3A_107)
    %mul3A_108 = arith.constant 640 : i32
    %mul3A_109 = arith.muli %arg1, %mul3A_108 : i32
    %mul3A_110 = arith.constant 640 : i32
    %mul3A_111 = arith.muli %arg1, %mul3A_110 : i32
    "tpu.region"() ({
      %run_scoped3A = tpu.sem_alloc : memref<!tpu.dma_semaphore, #tpu.memory_space<semaphore_mem>>
      %dma_start3A_112 = arith.constant 0 : i32
      %dma_start3A_113 = tpu.memref_slice %arg5[%arg0, %mul3A_111, %dma_start3A_112] : memref<2x10240x32xf32, #tpu.memory_space<hbm>> -> memref<1x640x32xf32, #tpu.memory_space<hbm>>
      %dma_start3A_114 = tpu.memref_squeeze %dma_start3A_113 : memref<1x640x32xf32, #tpu.memory_space<hbm>> -> memref<640x32xf32, #tpu.memory_space<hbm>>
      %dma_start3A_115 = arith.constant 0 : i32
      %dma_start3A_116 = tpu.memref_slice %arg17[%mul3A_109, %dma_start3A_115] : memref<10240x32xf32, #tpu.memory_space<vmem_shared>> -> memref<640x32xf32, #tpu.memory_space<vmem_shared>>
      tpu.enqueue_dma source(%dma_start3A_116 : memref<640x32xf32, #tpu.memory_space<vmem_shared>>) target(%dma_start3A_114 : memref<640x32xf32, #tpu.memory_space<hbm>>) target_semaphore(%run_scoped3A : memref<!tpu.dma_semaphore, #tpu.memory_space<semaphore_mem>>)
      %dma_wait3A_117 = arith.constant 0 : i32
      %dma_wait3A_118 = tpu.memref_slice %arg5[%arg0, %mul3A_111, %dma_wait3A_117] : memref<2x10240x32xf32, #tpu.memory_space<hbm>> -> memref<1x640x32xf32, #tpu.memory_space<hbm>>
      %dma_wait3A_119 = tpu.memref_squeeze %dma_wait3A_118 : memref<1x640x32xf32, #tpu.memory_space<hbm>> -> memref<640x32xf32, #tpu.memory_space<hbm>>
      %dma_wait3A_120 = arith.constant 0 : i32
      %dma_wait3A_121 = tpu.memref_slice %arg17[%mul3A_109, %dma_wait3A_120] : memref<10240x32xf32, #tpu.memory_space<vmem_shared>> -> memref<640x32xf32, #tpu.memory_space<vmem_shared>>
      tpu.wait_dma2 semaphore(%run_scoped3A : memref<!tpu.dma_semaphore, #tpu.memory_space<semaphore_mem>>) src(%dma_wait3A_121 : memref<640x32xf32, #tpu.memory_space<vmem_shared>>) dst(%dma_wait3A_119 : memref<640x32xf32, #tpu.memory_space<hbm>>)
      tpu.yield
    }) : () -> ()
    return
  }
}

module attributes {stable_mosaic.version = 14 : i64} {
  func.func @_tc1_body(%arg0: memref<2x10240xf32, #tpu.memory_space<vmem>>, %arg1: memref<10240x32xf32, #tpu.memory_space<vmem>>, %arg2: memref<10240x32xf32, #tpu.memory_space<vmem>>) attributes {dimension_semantics = [], scalar_prefetch = 0 : i64, scratch_operands = 0 : i64, tpu.core_type = #tpu.core_type<tc>} {
    %get3A = arith.constant 0 : index
    %get3A_0 = arith.constant 0 : index
    %get3A_1 = vector.load %arg0[%get3A, %get3A_0] : memref<2x10240xf32, #tpu.memory_space<vmem>>, vector<1x10240xf32>
    %get3A_2 = vector.shape_cast %get3A_1 : vector<1x10240xf32> to vector<10240xf32>
    %get3A_3 = arith.constant 1 : index
    %get3A_4 = arith.constant 0 : index
    %get3A_5 = vector.load %arg0[%get3A_3, %get3A_4] : memref<2x10240xf32, #tpu.memory_space<vmem>>, vector<1x10240xf32>
    %get3A_6 = vector.shape_cast %get3A_5 : vector<1x10240xf32> to vector<10240xf32>
    %add3A = arith.addf %get3A_2, %get3A_6 : vector<10240xf32>
    %add3A_7 = arith.constant 1.000000e+00 : f32
    %add3A_8 = vector.broadcast %add3A_7 : f32 to vector<10240xf32>
    %add3A_9 = arith.addf %add3A, %add3A_8 : vector<10240xf32>
    %rsqrt3A = math.rsqrt %add3A_9 : vector<10240xf32>
    %get3A_10 = arith.constant 0 : index
    %get3A_11 = arith.constant 0 : index
    %get3A_12 = vector.load %arg1[%get3A_10, %get3A_11] : memref<10240x32xf32, #tpu.memory_space<vmem>>, vector<10240x32xf32>
    %broadcast_in_dim3A = vector.shape_cast %rsqrt3A : vector<10240xf32> to vector<10240x1xf32>
    %mul3A = vector.broadcast %broadcast_in_dim3A : vector<10240x1xf32> to vector<10240x32xf32>
    %mul3A_13 = arith.mulf %get3A_12, %mul3A : vector<10240x32xf32>
    %swap3A = arith.constant 0 : index
    %swap3A_14 = arith.constant 0 : index
    %swap3A_15 = vector.load %arg2[%swap3A, %swap3A_14] : memref<10240x32xf32, #tpu.memory_space<vmem>>, vector<10240x32xf32>
    tpu.vector_store %arg2[%swap3A, %swap3A_14], %mul3A_13 {strides = array<i32>} : memref<10240x32xf32, #tpu.memory_space<vmem>>, vector<10240x32xf32>,
    return
  }
}

module attributes {stable_mosaic.version = 14 : i64} {
  func.func @_tc2_body(%arg0: memref<2x10240xf32, #tpu.memory_space<vmem>>, %arg1: memref<2x10240x32xf32, #tpu.memory_space<vmem>>, %arg2: memref<10240x32xf32, #tpu.memory_space<vmem>>, %arg3: memref<32x128xf32, #tpu.memory_space<vmem>>, %arg4: memref<1x128xf32, #tpu.memory_space<vmem>>, %arg5: memref<10240x128xf32, #tpu.memory_space<vmem>>) attributes {dimension_semantics = [], scalar_prefetch = 0 : i64, scratch_operands = 0 : i64, tpu.core_type = #tpu.core_type<tc>} {
    %get3A = arith.constant 0 : index
    %get3A_0 = arith.constant 0 : index
    %get3A_1 = vector.load %arg0[%get3A, %get3A_0] : memref<2x10240xf32, #tpu.memory_space<vmem>>, vector<1x10240xf32>
    %get3A_2 = vector.shape_cast %get3A_1 : vector<1x10240xf32> to vector<10240xf32>
    %get3A_3 = arith.constant 1 : index
    %get3A_4 = arith.constant 0 : index
    %get3A_5 = vector.load %arg0[%get3A_3, %get3A_4] : memref<2x10240xf32, #tpu.memory_space<vmem>>, vector<1x10240xf32>
    %get3A_6 = vector.shape_cast %get3A_5 : vector<1x10240xf32> to vector<10240xf32>
    %add3A = arith.addf %get3A_2, %get3A_6 : vector<10240xf32>
    %add3A_7 = arith.constant 1.000000e+00 : f32
    %add3A_8 = vector.broadcast %add3A_7 : f32 to vector<10240xf32>
    %add3A_9 = arith.addf %add3A, %add3A_8 : vector<10240xf32>
    %rsqrt3A = math.rsqrt %add3A_9 : vector<10240xf32>
    %broadcast_in_dim3A = vector.shape_cast %rsqrt3A : vector<10240xf32> to vector<10240x1xf32>
    %get3A_10 = arith.constant 0 : index
    %get3A_11 = arith.constant 0 : index
    %get3A_12 = arith.constant 0 : index
    %get3A_13 = vector.load %arg1[%get3A_10, %get3A_11, %get3A_12] : memref<2x10240x32xf32, #tpu.memory_space<vmem>>, vector<1x10240x32xf32>
    %get3A_14 = vector.shape_cast %get3A_13 : vector<1x10240x32xf32> to vector<10240x32xf32>
    %get3A_15 = arith.constant 1 : index
    %get3A_16 = arith.constant 0 : index
    %get3A_17 = arith.constant 0 : index
    %get3A_18 = vector.load %arg1[%get3A_15, %get3A_16, %get3A_17] : memref<2x10240x32xf32, #tpu.memory_space<vmem>>, vector<1x10240x32xf32>
    %get3A_19 = vector.shape_cast %get3A_18 : vector<1x10240x32xf32> to vector<10240x32xf32>
    %add3A_20 = arith.addf %get3A_14, %get3A_19 : vector<10240x32xf32>
    %get3A_21 = arith.constant 0 : index
    %get3A_22 = arith.constant 0 : index
    %get3A_23 = vector.load %arg2[%get3A_21, %get3A_22] : memref<10240x32xf32, #tpu.memory_space<vmem>>, vector<10240x32xf32>
    %add3A_24 = arith.addf %add3A_20, %get3A_23 : vector<10240x32xf32>
    %mul3A = vector.broadcast %broadcast_in_dim3A : vector<10240x1xf32> to vector<10240x32xf32>
    %mul3A_25 = arith.mulf %mul3A, %add3A_24 : vector<10240x32xf32>
    %get3A_26 = arith.constant 0 : index
    %get3A_27 = arith.constant 0 : index
    %get3A_28 = vector.load %arg3[%get3A_26, %get3A_27] : memref<32x128xf32, #tpu.memory_space<vmem>>, vector<32x128xf32>
    %dot_general3A = arith.constant dense<0.000000e+00> : vector<10240x128xf32>
    %dot_general3A_29 = tpu.matmul %mul3A_25, %get3A_28, %dot_general3A {dimension_numbers = #tpu.dot_dimension_numbers<[1], [0], [0], [1], [0, 0, 1, 1], [], []>, transpose_lhs_hint = false} : vector<10240x32xf32>, vector<32x128xf32>, vector<10240x128xf32> -> vector<10240x128xf32>
    %get3A_30 = arith.constant 0 : index
    %get3A_31 = arith.constant 0 : index
    %get3A_32 = vector.load %arg4[%get3A_30, %get3A_31] : memref<1x128xf32, #tpu.memory_space<vmem>>, vector<1x128xf32>
    %add3A_33 = vector.broadcast %get3A_32 : vector<1x128xf32> to vector<10240x128xf32>
    %add3A_34 = arith.addf %dot_general3A_29, %add3A_33 : vector<10240x128xf32>
    %max3A = arith.constant 0.000000e+00 : f32
    %max3A_35 = vector.broadcast %max3A : f32 to vector<10240x128xf32>
    %max3A_36 = arith.maximumf %add3A_34, %max3A_35 : vector<10240x128xf32>
    %swap3A = arith.constant 0 : index
    %swap3A_37 = arith.constant 0 : index
    %swap3A_38 = vector.load %arg5[%swap3A, %swap3A_37] : memref<10240x128xf32, #tpu.memory_space<vmem>>, vector<10240x128xf32>
    tpu.vector_store %arg5[%swap3A, %swap3A_37], %max3A_36 {strides = array<i32>} : memref<10240x128xf32, #tpu.memory_space<vmem>>, vector<10240x128xf32>,
    return
  }
}

</mosaic_0001>

<sc_bundles>
// kernel: kernel.6.cloned.1.call-start
scs
__scs_entry_jumppad:
0x0: {  	(pc) =	sbr.rel $0x88, $3  }
0x1: {  	(tag) =	ssettag $0x0;
	lr =	simm.s32 $0x1  }
0x2: {  	[smem:$0x3F9D] =	sst lr;
	_ =	strace $0xD0000000  }
0x3: {  	_ = 	snop  }
0x4: {  	_ = 	snop  }
0x5: {  	_ = 	snop  }
0x6: {  	_ = 	snop  }
0x7: {  	_ = 	snop  }
__scs_overlays_trampoline_lowered:
0x8: {  	[smem:$0x3FAC] =	sst s0  }
0x9: {  	[smem:$0x3FAD] =	sst s1  }
0xa: {  	[smem:$0x3FAE] =	sst s2  }
0xb: {  	[smem:$0x3FAF] =	sst s3  }
0xc: {  	[smem:$0x3FB0] =	sst s4  }
0xd: {  	[smem:$0x3FB1] =	sst s5  }
0xe: {  	[smem:$0x3FB2] =	sst s6  }
0xf: {  	[smem:$0x3FB3] =	sst s7  }
0x10: {  	[smem:$0x3FB4] =	sst s8  }
0x11: {  	[smem:$0x3FB5] =	sst s9;
	s0 =	simm.s32 @!p0 $0x0  }
0x12: {  	s1 =	sld [smem:$0x3F9B];
	s0 =	simm.s32 @p0 $0x1  }
0x13: {  	[smem:$0x3FB6] =	sst s0;
	s0 =	simm.s32 @!p1 $0x0  }
0x14: {  	s2 =	sld [smem:$0x3F9A];
	s0 =	simm.s32 @p1 $0x1  }
0x15: {  	[smem:$0x3FB7] =	sst s0;
	s0 =	simm.s32 @!p2 $0x0  }
0x16: {  	s3 =	sld [smem:$0x3FDB];
	s0 =	simm.s32 @p2 $0x1  }
0x17: {  	s4 =	simm.s32 $0x1BF5;
	[smem:$0x3FB9] =	sst s0  }
0x18: {  	s0 =	sld [smem:$0x3F9C];
	_ =	swait.ge [sflag:s4], $0x0  }
0x19: {  	s7 =	sld [smem:$0x3F9D]  }
0x1a: {  	s8 =	sadd.s32 $0xFFFFE003, lr  }
0x1b: {  	s9 =	sadd.s32 $0xFFFFFEF7, lr;
	s5 =	simm.s32 $0xFFFFFFFF;
	p2 =	slt.u32 s8, $0xFFFFF086  }
0x1c: {  	p1 =	slt.u32 s9, $0xF7A;
	s5 =	simm.s32 @!p2 $0x0  }
0x1d: {  	s5 =	simm.s32 @p1 $0x1;
	p0 =	seq.s32 s7, s2  }
0x1e: {  	s7 =	smul.u32 @!p0 $0xF7A, s2;
	p2 =	seq.s32 @!p0 s5, $0x0  }
0x1f: {  	s9 =	smul.u32 $0xF7A, s1;
	s8 =	simm.s32 @!p0 $0x1BF5;
	p2 =	por !p2, p0  }
0x20: {  	[sflag:s8] =	ssyncset.s32 @!p0 $0xFFFFF086;
	s6 =	sadd.s32 @!p0 s3, s7;
	s7 =	simm.s32 @!p0 $0x108  }
0x21: {  	s3 =	sadd.s32 s3, s9;
	s6 =	sadd.s32 @!p0 $0x88, s6;
	s7 =	simm.s32 @p2 $0x1082  }
0x22: {  	[simem:s7], [sflag:s8] =	dma.local @!p0 [hbm:s6], $0xF7A  }
0x23: {  	s9 =	sor.u32 $0xD0000000, s2;
	s6 =	simm.s32 $0x108;
	_ =	swait.ge @!p0 [sflag:s8], $0x0  }
0x24: {  	s3 =	sadd.s32 $0x88, s3;
	s6 =	simm.s32 @!p1 $0x1082;
	[sflag:s4] =	ssyncset.s32 $0xFFFFF086  }
0x25: {  	[simem:s6], [sflag:s4] =	dma.local [hbm:s3], $0xF7A  }
0x26: {  	[smem:$0x3F9D] =	sst s1;
	(tag) =	ssettag s2;
	_ =	strace s9  }
0x27: {  	s1 =	sld [smem:$0x3FAD]  }
0x28: {  	s2 =	sld [smem:$0x3FAE]  }
0x29: {  	s4 =	sld [smem:$0x3FB0]  }
0x2a: {  	p0 =	seq.s32 s5, $0x0;
	s5 =	sld [smem:$0x3FB1]  }
0x2b: {  	s6 =	sld [smem:$0x3FB2]  }
0x2c: {  	s7 =	sld [smem:$0x3FB3]  }
0x2d: {  	s3 =	simm.s32 $0x108;
	s8 =	sld [smem:$0x3FB4]  }
0x2e: {  	s3 =	simm.s32 @!p0 $0x1082;
	s9 =	sld [smem:$0x3FB5]  }
0x2f: {  	lr =	sadd.s32 s0, s3;
	s0 =	sld [smem:$0x3FAC]  }
0x30: {  	s3 =	sld [smem:$0x3FAF]  }
0x31: {  	[smem:$0x3FB8] =	sst s10  }
0x32: {  	s10 =	sld [smem:$0x3FB6];
	_ =	sdelay $0x3  }
0x33: {  	p0 =	seq.s32 s10, $0x1;
	s10 =	sld [smem:$0x3FB8];
	_ =	sdelay $0x3  }
0x34: {  	[smem:$0x3FB8] =	sst s10  }
0x35: {  	s10 =	sld [smem:$0x3FB7];
	_ =	sdelay $0x3  }
0x36: {  	p1 =	seq.s32 s10, $0x1;
	s10 =	sld [smem:$0x3FB8];
	_ =	sdelay $0x3  }
0x37: {  	[smem:$0x3FB8] =	sst s10  }
0x38: {  	s10 =	sld [smem:$0x3FB9]  }
0x39: {  	_ = 	snop;
	(pc) =	sbr.ind lr, $3  }
0x3a: {  	_ = 	snop  }
0x3b: {  	_ = 	snop  }
0x3c: {  	p2 =	seq.s32 s10, $0x1;
	s10 =	sld [smem:$0x3FB8]  }
0x3d: {  	_ =	shalt  }
0x3e: {  	_ =	shalt  }
0x3f: {  	_ =	shalt  }
0x40: {  	_ =	shalt  }
0x41: {  	_ =	shalt  }
0x42: {  	_ =	shalt  }
0x43: {  	_ =	shalt  }
0x44: {  	_ =	shalt  }
0x45: {  	_ =	shalt  }
0x46: {  	_ =	shalt  }
0x47: {  	_ =	shalt  }
0x48: {  	_ =	shalt  }
0x49: {  	_ =	shalt  }
0x4a: {  	_ =	shalt  }
0x4b: {  	_ =	shalt  }
0x4c: {  	_ =	shalt  }
0x4d: {  	_ =	shalt  }
0x4e: {  	_ =	shalt  }
0x4f: {  	_ =	shalt  }
0x50: {  	_ =	shalt  }
0x51: {  	_ =	shalt  }
0x52: {  	_ =	shalt  }
0x53: {  	_ =	shalt  }
0x54: {  	_ =	shalt  }
0x55: {  	_ =	shalt  }
0x56: {  	_ =	shalt  }
0x57: {  	_ =	shalt  }
0x58: {  	_ =	shalt  }
0x59: {  	_ =	shalt  }
0x5a: {  	_ =	shalt  }
0x5b: {  	_ =	shalt  }
0x5c: {  	_ =	shalt  }
0x5d: {  	_ =	shalt  }
0x5e: {  	_ =	shalt  }
0x5f: {  	_ =	shalt  }
0x60: {  	_ =	shalt  }
0x61: {  	_ =	shalt  }
0x62: {  	_ =	shalt  }
0x63: {  	_ =	shalt  }
0x64: {  	_ =	shalt  }
0x65: {  	_ =	shalt  }
0x66: {  	_ =	shalt  }
0x67: {  	_ =	shalt  }
0x68: {  	_ =	shalt  }
0x69: {  	_ =	shalt  }
0x6a: {  	_ =	shalt  }
0x6b: {  	_ =	shalt  }
0x6c: {  	_ =	shalt  }
0x6d: {  	_ =	shalt  }
0x6e: {  	_ =	shalt  }
0x6f: {  	_ =	shalt  }
0x70: {  	_ =	shalt  }
0x71: {  	_ =	shalt  }
0x72: {  	_ =	shalt  }
0x73: {  	_ =	shalt  }
0x74: {  	_ =	shalt  }
0x75: {  	_ =	shalt  }
0x76: {  	_ =	shalt  }
0x77: {  	_ =	shalt  }
0x78: {  	_ =	shalt  }
0x79: {  	_ =	shalt  }
0x7a: {  	_ =	shalt  }
0x7b: {  	_ =	shalt  }
0x7c: {  	_ =	shalt  }
0x7d: {  	_ =	shalt  }
0x7e: {  	_ =	shalt  }
0x7f: {  	_ =	shalt  }
0x80: {  	_ =	shalt  }
0x81: {  	_ =	shalt  }
0x82: {  	_ =	shalt  }
0x83: {  	_ =	shalt  }
0x84: {  	_ =	shalt  }
0x85: {  	_ =	shalt  }
0x86: {  	_ =	shalt  }
0x87: {  	_ =	shalt  }
.Lfunc_end0:
.L_simem_size_0:
called_computation_lowered:
.L_overlay_start_0:
0x88: {  	s2 =	sld [smem:$0x3FD9]  }
0x89: {  	s3 =	sld [smem:$0x3FFE];
	_ =	sdelay $0x1  }
0x8a: {  	s1 =	srdreg.scid  }
0x8b: {  	s0 =	sand.u32 $0x1, s1  }
0x8c: {  	s14 =	sshll.u32 s0, $0xA;
	s2 =	sadd.s32 s3, s2  }
0x8d: {  	s2 =	sadd.s32 s2, s14  }
0x8e: {  	[smem:$0x3FC4] =	sst s2  }
0x8f: {  	_ = 	snop  }
0x90: {  	s2 =	sld [smem:$0x3FD0];
	_ =	sdelay $0x2  }
0x91: {  	s15 =	simm.s32 $0xA;
	s4 =	simm.s32 $0x10  }
0x92: {  	[smem:s4], [sflag:s15] =	dma.local [hbm:s2], $0x1  }
0x93: {  	_ =	swait.eq [sflag:s15], $0x1  }
0x94: {  	[sflag:s15] =	ssyncset.done $0x0  }
0x95: {  	[sflag:s15] =	ssyncadd.s32 $0xFFFFFFFF  }
0x96: {  	s16 =	sld [smem:$0x14];
	(tm) =	ssettm $0x1  }
0x97: {  	s17 =	sld [smem:$0x3FFB];
	_ =	sdelay $0x3  }
0x98: {  	_ =	strace s17  }
0x99: {  	s3 =	sld [smem:$0x3FFC];
	_ =	sdelay $0x3  }
0x9a: {  	_ =	strace s3  }
0x9b: {  	s3 =	sld [smem:$0x3FFD];
	_ =	sdelay $0x3  }
0x9c: {  	_ =	strace s3  }
0x9d: {  	_ =	strace $0x8FFFFFFF  }
0x9e: {  	s18 =	sld [smem:$0x3FDB];
	_ =	sdelay $0x1  }
0x9f: {  	s19 =	simm.s32 $_scs_section_size  }
0xa0: {  	s5 =	simm.s32 $_size__tile_overlayer_lowered;
	s6 =	simm.s32 $_tile_overlayer_lowered  }
0xa1: {  	s22 =	simm.s32 $0x1BFF;
	s21 =	sshll.u32 s6, $0x1;
	s3 =	sadd.s32 s19, s18  }
0xa2: {  	s7 =	simm.s32 $0x0;
	s20 =	sshll.u32 s5, $0x1;
	s5 =	sadd.s32 s21, s3  }
0xa3: {  	[timem:s7], [sflag:s22] =	dma.local [hbm:s5], s20  }
0xa4: {  	_ =	swait.ge [sflag:s22], s20  }
0xa5: {  	s4 =	ssub.s32 $0x0, s20;
	[sflag:s22] =	ssyncset.done $0x0  }
0xa6: {  	[sflag:s22] =	ssyncadd.s32 s4;
	_ =	sdelay $0x1  }
0xa7: {  	s23 =	simm.s32 $0x1B8B  }
0xa8: {  	_ =	swait.ge [sflag:s23], $0x1  }
0xa9: {  	[sflag:s23] =	ssyncset.done $0x0  }
0xaa: {  	s25 =	simm.s32 $0x1B8E;
	s24 =	sld [smem:$0x3FFE];
	[sflag:s23] =	ssyncadd.s32 $0xFFFFFFFF  }
0xab: {  	s26 =	simm.s32 $execute0_lowered;
	[smem:$0x3FD2] =	sst s25  }
0xac: {  	s5 =	sshll.u32 s26, $0x1;
	_ =	strace $0x80000046;
	[dreg:$0x1] =	wrdreg $0xFFFFFFFF  }
0xad: {  	s28 =	simm.s32 $_size_execute0_lowered;
	s3 =	sadd.s32 s3, s5;
	[dreg:$0x0] =	wrdreg $0x0  }
0xae: {  	s5 =	sshll.u32 s28, $0x1;
	[dreg:$0x2] =	wrdreg s3  }
0xaf: {  	[dreg:$0x3] =	wrdreg s5  }
0xb0: {  	[dreg:$0x4] =	wrdreg $0xC0  }
0xb1: {  	_ =	task [dreg:s7], $0x5FFFF  }
0xb2: {  	[dreg:$0x1] =	wrdreg $0xFFFFFFFF  }
0xb3: {  	[dreg:$0x0] =	wrdreg $0x60  }
0xb4: {  	[dreg:$0x2] =	wrdreg s24  }
0xb5: {  	[dreg:$0x3] =	wrdreg s16  }
0xb6: {  	[dreg:$0x4] =	wrdreg $0x2B000  }
0xb7: {  	[dreg:$0x5] =	wrdreg $0x9  }
0xb8: {  	_ =	task.clear_ibuf [dreg:s7], $0x6FFFF;
	_ =	strace $0x90000046  }
0xb9: {  	s29 =	simm.s32 $0x9;
	_ =	strace $0x80000048  }
0xba: {  	_ =	swait.ge [sflag:s29], $0x1  }
0xbb: {  	[sflag:s29] =	ssyncadd.s32 $0xFFFFFFFF  }
0xbc: {  	_ =	strace $0x90000048  }
0xbd: {  	_ =	sfence  }
0xbe: {  	s30 =	sld [smem:$0x0];
	_ =	sdelay $0x2  }
0xbf: {  	s31 =	sshll.u32 s1, $0xD;
	s1 =	sshrl.u32 s1, $0x2  }
0xc0: {  	s3 =	sand.u32 $0x4000, s31;
	s1 =	sadd.s32 s1, s30  }
0xc1: {  	s0 =	sor.u32 s3, s0;
	s1 =	sshll.u32 s1, $0x11  }
0xc2: {  	s0 =	sor.u32 s1, s0  }
0xc3: {  	s0 =	sadd.s32 $0x8F2B, s0  }
0xc4: {  	[sflag:s0] =	ssyncadd.remote.s32 $0x1  }
0xc5: {  	_ =	sfence.sel $0xFFFF  }
0xc6: {  	[dreg:$0x0] =	wrdreg $0xFFFFFFFF;
	(pc) =	sbr.abs _section_cstart, $3  }
0xc7: {  	[dreg:$0x1] =	wrdreg $0xFFFFFFFF  }
0xc8: {  	_ =	task.clear_ibuf [dreg:s7], $0x2FFFF;
	_ =	strace $0x9FFFFFFF  }
0xc9: {  	(tm) =	ssettm $0x7FFFFFFF  }
tec
execute0_lowered:
.L_overlay_start_1:
0x0: {  	(tag) =	ssettag $0x1  }
0x1: {  	s5 =	rddreg [dreg:$0x0]  }
0x2: {  	s6 =	rddreg [dreg:$0x1]  }
0x3: {  	s0 =	srdreg.scid;
	s2 =	rddreg [dreg:$0x2]  }
0x4: {  	s3 =	simm.s32 $0x0;
	s10 =	simm.s32 $0x80;
	s11 =	simm.s32 $0x2800  }
0x5: {  	s12 =	simm.s32 $0x1;
	s4 =	sand.u32 $0x1, s0;
	s0 =	stileid.u32  }
0x6: {  	s15 =	simm.s32 $0x0;
	[smem:$0x7FF] =	sst s3;
	s8 =	smul.u32 $0x280, s0  }
0x7: {  	s1 =	sshll.u32 s4, $0x4;
	s9 =	smul.u32 $0x2800, s4;
	s4 =	ssub.s32 $0x2, s4  }
0x8: {  	s13 =	sshll.u32 s0, $0x6;
	s1 =	sor.u32 s0, s1;
	s31 =	sshrl.u32 s4, $0x1  }
0x9: {  	s13 =	sor.u32 $0x1C02, s13;
	s7 =	smul.u32 $0x500, s1;
	s9 =	sadd.s32 s8, s9  }
0xa: {  	s1 =	rddreg [dreg:$0x3];
	_ =	strace $0x80000047;
	s9 =	sshrl.u32 s9, $0x3  }
0xb: {  	s5 =	sadd.s32 s7, s5;
	s7 =	ssub.s32 s4, s31;
	s6 =	sadd.s32 s6, s9  }
0xc: {  	s9 =	simm.s32 $0x2880;
	s4 =	sadd.s32 $0xE00, s5;
	s5 =	sadd.s32 s8, s2  }
0xd: {  	v0 =	vimm.f32 $0.0e+00;
	v1 =	vimm.f32 $1.000000000e+00;
	s7 =	smax.u32 s7, $0x1;
	s8 =	simm.s32 $0x2;
	s14 =	sshrl.u32 s5, $0x3  }
.LBB2_1:
0xe: {  	[tilespmem:s3], [sflag:$0x2] =	stream.linear.gather [hbm4b:s4+s3], $0x2800, $0x38;
	[tilespmem:$0x2D80] =	vst v63  }
0xf: {  	_ =	swait.ge [sflag:s8], $0x2800  }
0x10: {  	[sflag:s8] =	ssyncset.done $0x0  }
0x11: {  	[sflag:s8] =	ssyncadd.s32 $0xFFFFD800  }
0x12: {  	[tilespmem:$0x2880] =	vst v0  }
0x13: {  	[tilespmem:$0x2890] =	vst v0  }
0x14: {  	[tilespmem:$0x28A0] =	vst v0  }
0x15: {  	[tilespmem:$0x28B0] =	vst v0  }
0x16: {  	[tilespmem:$0x28C0] =	vst v0  }
0x17: {  	[tilespmem:$0x28D0] =	vst v0  }
0x18: {  	[tilespmem:$0x28E0] =	vst v0  }
0x19: {  	[tilespmem:$0x28F0] =	vst v0  }
0x1a: {  	[tilespmem:$0x2900] =	vst v0  }
0x1b: {  	[tilespmem:$0x2910] =	vst v0  }
0x1c: {  	[tilespmem:$0x2920] =	vst v0  }
0x1d: {  	[tilespmem:$0x2930] =	vst v0  }
0x1e: {  	[tilespmem:$0x2940] =	vst v0  }
0x1f: {  	[tilespmem:$0x2950] =	vst v0  }
0x20: {  	[tilespmem:$0x2960] =	vst v0  }
0x21: {  	[tilespmem:$0x2970] =	vst v0  }
0x22: {  	[tilespmem:$0x2980] =	vst v0  }
0x23: {  	[tilespmem:$0x2990] =	vst v0  }
0x24: {  	[tilespmem:$0x29A0] =	vst v0  }
0x25: {  	[tilespmem:$0x29B0] =	vst v0  }
0x26: {  	[tilespmem:$0x29C0] =	vst v0  }
0x27: {  	[tilespmem:$0x29D0] =	vst v0  }
0x28: {  	[tilespmem:$0x29E0] =	vst v0  }
0x29: {  	[tilespmem:$0x29F0] =	vst v0  }
0x2a: {  	[tilespmem:$0x2A00] =	vst v0  }
0x2b: {  	[tilespmem:$0x2A10] =	vst v0  }
0x2c: {  	[tilespmem:$0x2A20] =	vst v0  }
0x2d: {  	[tilespmem:$0x2A30] =	vst v0  }
0x2e: {  	[tilespmem:$0x2A40] =	vst v0  }
0x2f: {  	[tilespmem:$0x2A50] =	vst v0  }
0x30: {  	[tilespmem:$0x2A60] =	vst v0  }
0x31: {  	[tilespmem:$0x2A70] =	vst v0  }
0x32: {  	[tilespmem:$0x2A80] =	vst v0  }
0x33: {  	[tilespmem:$0x2A90] =	vst v0  }
0x34: {  	[tilespmem:$0x2AA0] =	vst v0  }
0x35: {  	[tilespmem:$0x2AB0] =	vst v0  }
0x36: {  	[tilespmem:$0x2AC0] =	vst v0  }
0x37: {  	[tilespmem:$0x2AD0] =	vst v0  }
0x38: {  	[tilespmem:$0x2AE0] =	vst v0  }
0x39: {  	[tilespmem:$0x2AF0] =	vst v0  }
0x3a: {  	[tilespmem:$0x2800] =	vst v1  }
0x3b: {  	[tilespmem:$0x2810] =	vst v1  }
0x3c: {  	[tilespmem:$0x2820] =	vst v1  }
0x3d: {  	[tilespmem:$0x2830] =	vst v1  }
0x3e: {  	[tilespmem:$0x2840] =	vst v1  }
0x3f: {  	[tilespmem:$0x2850] =	vst v1  }
0x40: {  	[tilespmem:$0x2860] =	vst v1  }
0x41: {  	[tilespmem:$0x2870] =	vst v1  }
0x42: {  	[spmem:s5] =	stream.linear.scatter [tilespmem:s9], [sflag:$0x2], $0x280, $0x38;
	[tilespmem:$0x2D80] =	vst v63  }
0x43: {  	_ =	swait.ge [sflag:s8], $0x280  }
0x44: {  	[sflag:s8] =	ssyncset.done $0x0  }
0x45: {  	[sflag:s8] =	ssyncadd.s32 $0xFFFFFD80  }
0x46: {  	s16 =	simm.s32 $0x0;
	[bflag:$0x0] =	sbarrier.arrive $0xFFFF  }
0x47: {  	[spmem:s2] =	stream.indirect.scatter.add.f32 [tilespmem:s11], [sflag:$0x1], $0x1, s16, s10, $0xb8;
	[tilespmem:$0x2D80] =	vst v63  }
0x48: {  	s24 =	simm.s32 $0x80  }
0x49: {  	[spmem:s2] =	stream.indirect.scatter.add.f32 [tilespmem:s11], [sflag:$0x1], $0x1, s24, s10, $0xb8;
	[tilespmem:$0x2D80] =	vst v63  }
0x4a: {  	s25 =	simm.s32 $0x100  }
0x4b: {  	[spmem:s2] =	stream.indirect.scatter.add.f32 [tilespmem:s11], [sflag:$0x1], $0x1, s25, s10, $0xb8;
	[tilespmem:$0x2D80] =	vst v63  }
0x4c: {  	s26 =	simm.s32 $0x180  }
0x4d: {  	[spmem:s2] =	stream.indirect.scatter.add.f32 [tilespmem:s11], [sflag:$0x1], $0x1, s26, s10, $0xb8;
	[tilespmem:$0x2D80] =	vst v63  }
0x4e: {  	s28 =	simm.s32 $0x200  }
0x4f: {  	[spmem:s2] =	stream.indirect.scatter.add.f32 [tilespmem:s11], [sflag:$0x1], $0x1, s28, s10, $0xb8;
	[tilespmem:$0x2D80] =	vst v63  }
0x50: {  	s29 =	simm.s32 $0x280  }
0x51: {  	[spmem:s2] =	stream.indirect.scatter.add.f32 [tilespmem:s11], [sflag:$0x1], $0x1, s29, s10, $0xb8;
	[tilespmem:$0x2D80] =	vst v63  }
0x52: {  	s30 =	simm.s32 $0x300  }
0x53: {  	[spmem:s2] =	stream.indirect.scatter.add.f32 [tilespmem:s11], [sflag:$0x1], $0x1, s30, s10, $0xb8;
	[tilespmem:$0x2D80] =	vst v63  }
0x54: {  	s31 =	simm.s32 $0x380  }
0x55: {  	[spmem:s2] =	stream.indirect.scatter.add.f32 [tilespmem:s11], [sflag:$0x1], $0x1, s31, s10, $0xb8;
	[tilespmem:$0x2D80] =	vst v63  }
0x56: {  	_ =	swait.ge [sflag:s12], $0x80  }
0x57: {  	[sflag:s12] =	ssyncset.done $0x0  }
0x58: {  	[sflag:s12] =	ssyncadd.s32 $0xFFFFFF80  }
0x59: {  	_ =	swait.ge [sflag:s12], $0x80  }
0x5a: {  	[sflag:s12] =	ssyncset.done $0x0  }
0x5b: {  	[sflag:s12] =	ssyncadd.s32 $0xFFFFFF80  }
0x5c: {  	_ =	swait.ge [sflag:s12], $0x80  }
0x5d: {  	[sflag:s12] =	ssyncset.done $0x0  }
0x5e: {  	[sflag:s12] =	ssyncadd.s32 $0xFFFFFF80  }
0x5f: {  	_ =	swait.ge [sflag:s12], $0x80  }
0x60: {  	[sflag:s12] =	ssyncset.done $0x0  }
0x61: {  	[sflag:s12] =	ssyncadd.s32 $0xFFFFFF80  }
0x62: {  	_ =	swait.ge [sflag:s12], $0x80  }
0x63: {  	[sflag:s12] =	ssyncset.done $0x0  }
0x64: {  	[sflag:s12] =	ssyncadd.s32 $0xFFFFFF80  }
0x65: {  	_ =	swait.ge [sflag:s12], $0x80  }
0x66: {  	[sflag:s12] =	ssyncset.done $0x0  }
0x67: {  	[sflag:s12] =	ssyncadd.s32 $0xFFFFFF80  }
0x68: {  	_ =	swait.ge [sflag:s12], $0x80  }
0x69: {  	[sflag:s12] =	ssyncset.done $0x0  }
0x6a: {  	[sflag:s12] =	ssyncadd.s32 $0xFFFFFF80  }
0x6b: {  	_ =	swait.ge [sflag:s12], $0x80  }
0x6c: {  	s18 =	simm.s32 $0x2000;
	s16 =	simm.s32 $0x1000;
	[sflag:s12] =	ssyncset.done $0x0  }
.LBB2_2:
0x6d: {  	s19 =	sshra.s32 s16, $0x2  }
0x6e: {  	[sflag:s12] =	ssyncadd.s32 $0xFFFFFF80;
	s16 =	smov.u32 s18;
	s17 =	sadd.s32 $0x1000, s18  }
0x6f: {  	[spmem:s2] =	stream.indirect.scatter.add.f32 [tilespmem:s11], [sflag:$0x1], $0x1, s19, s10, $0xb8;
	[tilespmem:$0x2D80] =	vst v63  }
0x70: {  	p0 =	sne.s32 s18, $0x9000;
	s18 =	sadd.s32 $0x80, s19  }
0x71: {  	[spmem:s2] =	stream.indirect.scatter.add.f32 [tilespmem:s11], [sflag:$0x1], $0x1, s18, s10, $0xb8;
	[tilespmem:$0x2D80] =	vst v63  }
0x72: {  	s18 =	sadd.s32 $0x100, s19  }
0x73: {  	[spmem:s2] =	stream.indirect.scatter.add.f32 [tilespmem:s11], [sflag:$0x1], $0x1, s18, s10, $0xb8;
	[tilespmem:$0x2D80] =	vst v63  }
0x74: {  	s18 =	sadd.s32 $0x180, s19  }
0x75: {  	[spmem:s2] =	stream.indirect.scatter.add.f32 [tilespmem:s11], [sflag:$0x1], $0x1, s18, s10, $0xb8;
	[tilespmem:$0x2D80] =	vst v63  }
0x76: {  	s18 =	sadd.s32 $0x200, s19  }
0x77: {  	[spmem:s2] =	stream.indirect.scatter.add.f32 [tilespmem:s11], [sflag:$0x1], $0x1, s18, s10, $0xb8;
	[tilespmem:$0x2D80] =	vst v63  }
0x78: {  	s18 =	sadd.s32 $0x280, s19  }
0x79: {  	[spmem:s2] =	stream.indirect.scatter.add.f32 [tilespmem:s11], [sflag:$0x1], $0x1, s18, s10, $0xb8;
	[tilespmem:$0x2D80] =	vst v63  }
0x7a: {  	s18 =	sadd.s32 $0x300, s19  }
0x7b: {  	[spmem:s2] =	stream.indirect.scatter.add.f32 [tilespmem:s11], [sflag:$0x1], $0x1, s18, s10, $0xb8;
	[tilespmem:$0x2D80] =	vst v63  }
0x7c: {  	s18 =	sadd.s32 $0x380, s19  }
0x7d: {  	[spmem:s2] =	stream.indirect.scatter.add.f32 [tilespmem:s11], [sflag:$0x1], $0x1, s18, s10, $0xb8;
	[tilespmem:$0x2D80] =	vst v63  }
0x7e: {  	_ =	swait.ge [sflag:s12], $0x80  }
0x7f: {  	[sflag:s12] =	ssyncset.done $0x0  }
0x80: {  	[sflag:s12] =	ssyncadd.s32 $0xFFFFFF80  }
0x81: {  	_ =	swait.ge [sflag:s12], $0x80  }
0x82: {  	[sflag:s12] =	ssyncset.done $0x0  }
0x83: {  	[sflag:s12] =	ssyncadd.s32 $0xFFFFFF80  }
0x84: {  	_ =	swait.ge [sflag:s12], $0x80  }
0x85: {  	[sflag:s12] =	ssyncset.done $0x0  }
0x86: {  	[sflag:s12] =	ssyncadd.s32 $0xFFFFFF80  }
0x87: {  	_ =	swait.ge [sflag:s12], $0x80  }
0x88: {  	[sflag:s12] =	ssyncset.done $0x0  }
0x89: {  	[sflag:s12] =	ssyncadd.s32 $0xFFFFFF80  }
0x8a: {  	_ =	swait.ge [sflag:s12], $0x80  }
0x8b: {  	[sflag:s12] =	ssyncset.done $0x0  }
0x8c: {  	[sflag:s12] =	ssyncadd.s32 $0xFFFFFF80  }
0x8d: {  	_ =	swait.ge [sflag:s12], $0x80  }
0x8e: {  	[sflag:s12] =	ssyncset.done $0x0  }
0x8f: {  	[sflag:s12] =	ssyncadd.s32 $0xFFFFFF80  }
.Ltmp0:
0x90: {  	_ =	swait.ge [sflag:s12], $0x80;
	(pc) =	sbr.rel @p0 .LBB2_2-.Ltmp0, $4  }
0x91: {  	[sflag:s12] =	ssyncset.done $0x0  }
0x92: {  	[sflag:s12] =	ssyncadd.s32 $0xFFFFFF80  }
0x93: {  	_ =	swait.ge [sflag:s12], $0x80  }
0x94: {  	s18 =	smov.u32 s17;
	[sflag:s12] =	ssyncset.done $0x0  }
0x95: {  	s16 =	sshra.s32 s16, $0x2;
	[sflag:s12] =	ssyncadd.s32 $0xFFFFFF80  }
0x96: {  	[spmem:s2] =	stream.indirect.scatter.add.f32 [tilespmem:s11], [sflag:$0x1], $0x1, s16, s10, $0xb8;
	[tilespmem:$0x2D80] =	vst v63  }
0x97: {  	s17 =	sadd.s32 $0x80, s16  }
0x98: {  	[spmem:s2] =	stream.indirect.scatter.add.f32 [tilespmem:s11], [sflag:$0x1], $0x1, s17, s10, $0xb8;
	[tilespmem:$0x2D80] =	vst v63  }
0x99: {  	s26 =	sadd.s32 $0x100, s16  }
0x9a: {  	[spmem:s2] =	stream.indirect.scatter.add.f32 [tilespmem:s11], [sflag:$0x1], $0x1, s26, s10, $0xb8;
	[tilespmem:$0x2D80] =	vst v63  }
0x9b: {  	s28 =	sadd.s32 $0x180, s16  }
0x9c: {  	[spmem:s2] =	stream.indirect.scatter.add.f32 [tilespmem:s11], [sflag:$0x1], $0x1, s28, s10, $0xb8;
	[tilespmem:$0x2D80] =	vst v63  }
0x9d: {  	s29 =	sadd.s32 $0x200, s16  }
0x9e: {  	[spmem:s2] =	stream.indirect.scatter.add.f32 [tilespmem:s11], [sflag:$0x1], $0x1, s29, s10, $0xb8;
	[tilespmem:$0x2D80] =	vst v63  }
0x9f: {  	s30 =	sadd.s32 $0x280, s16  }
0xa0: {  	[spmem:s2] =	stream.indirect.scatter.add.f32 [tilespmem:s11], [sflag:$0x1], $0x1, s30, s10, $0xb8;
	[tilespmem:$0x2D80] =	vst v63  }
0xa1: {  	s31 =	sadd.s32 $0x300, s16  }
0xa2: {  	[spmem:s2] =	stream.indirect.scatter.add.f32 [tilespmem:s11], [sflag:$0x1], $0x1, s31, s10, $0xb8;
	[tilespmem:$0x2D80] =	vst v63  }
0xa3: {  	s16 =	sadd.s32 $0x380, s16  }
0xa4: {  	[spmem:s2] =	stream.indirect.scatter.add.f32 [tilespmem:s11], [sflag:$0x1], $0x1, s16, s10, $0xb8;
	[tilespmem:$0x2D80] =	vst v63  }
0xa5: {  	_ =	swait.ge [sflag:s12], $0x80  }
0xa6: {  	[sflag:s12] =	ssyncset.done $0x0  }
0xa7: {  	[sflag:s12] =	ssyncadd.s32 $0xFFFFFF80  }
0xa8: {  	_ =	swait.ge [sflag:s12], $0x80  }
0xa9: {  	[sflag:s12] =	ssyncset.done $0x0  }
0xaa: {  	[sflag:s12] =	ssyncadd.s32 $0xFFFFFF80  }
0xab: {  	_ =	swait.ge [sflag:s12], $0x80  }
0xac: {  	[sflag:s12] =	ssyncset.done $0x0  }
0xad: {  	[sflag:s12] =	ssyncadd.s32 $0xFFFFFF80  }
0xae: {  	_ =	swait.ge [sflag:s12], $0x80  }
0xaf: {  	[sflag:s12] =	ssyncset.done $0x0  }
0xb0: {  	[sflag:s12] =	ssyncadd.s32 $0xFFFFFF80  }
0xb1: {  	_ =	swait.ge [sflag:s12], $0x80  }
0xb2: {  	[sflag:s12] =	ssyncset.done $0x0  }
0xb3: {  	[sflag:s12] =	ssyncadd.s32 $0xFFFFFF80  }
0xb4: {  	_ =	swait.ge [sflag:s12], $0x80  }
0xb5: {  	[sflag:s12] =	ssyncset.done $0x0  }
0xb6: {  	[sflag:s12] =	ssyncadd.s32 $0xFFFFFF80  }
0xb7: {  	_ =	swait.ge [sflag:s12], $0x80  }
0xb8: {  	[sflag:s12] =	ssyncset.done $0x0  }
0xb9: {  	[sflag:s12] =	ssyncadd.s32 $0xFFFFFF80  }
0xba: {  	_ =	swait.ge [sflag:s12], $0x80  }
0xbb: {  	s15 =	sadd.s32 $0x1, s15;
	[sflag:s12] =	ssyncset.done $0x0  }
0xbc: {  	p0 =	sne.s32 s15, s7;
	[sflag:s12] =	ssyncadd.s32 $0xFFFFFF80  }
.Ltmp1:
0xbd: {  	[bflag:$0x0] =	sbarrier.arrive $0xFFFF;
	(pc) =	sbr.rel @p0 .LBB2_1-.Ltmp1, $4  }
0xbe: {  	[hbm:s6], [sflag:s13] =	dma.local [spmem:s14], $0x50  }
0xbf: {  	_ =	swait.ge [sflag:s8], $0x50  }
0xc0: {  	[sflag:s8] =	ssyncset.done $0x0  }
0xc1: {  	[sflag:s8] =	ssyncadd.s32 $0xFFFFFFB0  }
0xc2: {  	_ =	sfence.sel $0x180000  }
0xc3: {  	[bflag:$0x0] =	sbarrier.arrive $0xFFFF  }
0xc4: {  	p0 =	sne.s32 s0, $0x0;
	_ =	strace $0x90000047  }
0xc5: {  	s0 =	sadd.s32 @!p0 $0x100000, s1;
	[bflag:$0x2] =	sbarrier.arrive $0xFFFF  }
0xc6: {  	[sflag:s0] =	ssyncadd.tile.s32 @!p0 $0x1;
	_ =	shalt  }
.Lfunc_end2:
_tile_overlayer_lowered:
.L_overlay_start_2:
0xc7: {  	(tag) =	ssettag $0x2  }
0xc8: {  	s0 =	rddreg [dreg:$0x0];
	s2 =	stileid.u32  }
0xc9: {  	s1 =	rddreg [dreg:$0x1];
	p0 =	sne.s32 s2, $0x0  }
0xca: {  	s3 =	rddreg [dreg:$0x2];
	[bflag:$0x3] =	sbarrier.arrive $0xFFFF;
	s2 =	simm.s32 @!p0 $0x1C02  }
0xcb: {  	[timem:s3], [sflag:s2] =	dma.local @!p0 [hbm:s0], s1  }
0xcc: {  	s0 =	simm.s32 @!p0 $0x2  }
0xcd: {  	_ =	swait.ge @!p0 [sflag:s0], s1  }
0xce: {  	s1 =	ssub.s32 @!p0 $0x0, s1;
	[sflag:s0] =	ssyncset.done @!p0 $0x0  }
0xcf: {  	[sflag:s0] =	ssyncadd.s32 @!p0 s1  }
0xd0: {  	[bflag:$0x3] =	sbarrier.arrive $0xFFFF  }
0xd1: {  	_ =	shalt  }

// kernel: kernel.9.cloned.1.call-start
scs
__scs_entry_jumppad:
0x0: {  	(pc) =	sbr.rel $0x88, $3  }
0x1: {  	(tag) =	ssettag $0x0;
	lr =	simm.s32 $0x1  }
0x2: {  	[smem:$0x3F9D] =	sst lr;
	_ =	strace $0xD0000000  }
0x3: {  	_ = 	snop  }
0x4: {  	_ = 	snop  }
0x5: {  	_ = 	snop  }
0x6: {  	_ = 	snop  }
0x7: {  	_ = 	snop  }
__scs_overlays_trampoline_lowered:
0x8: {  	[smem:$0x3FAC] =	sst s0  }
0x9: {  	[smem:$0x3FAD] =	sst s1  }
0xa: {  	[smem:$0x3FAE] =	sst s2  }
0xb: {  	[smem:$0x3FAF] =	sst s3  }
0xc: {  	[smem:$0x3FB0] =	sst s4  }
0xd: {  	[smem:$0x3FB1] =	sst s5  }
0xe: {  	[smem:$0x3FB2] =	sst s6  }
0xf: {  	[smem:$0x3FB3] =	sst s7  }
0x10: {  	[smem:$0x3FB4] =	sst s8  }
0x11: {  	[smem:$0x3FB5] =	sst s9;
	s0 =	simm.s32 @!p0 $0x0  }
0x12: {  	s1 =	sld [smem:$0x3F9B];
	s0 =	simm.s32 @p0 $0x1  }
0x13: {  	[smem:$0x3FB6] =	sst s0;
	s0 =	simm.s32 @!p1 $0x0  }
0x14: {  	s2 =	sld [smem:$0x3F9A];
	s0 =	simm.s32 @p1 $0x1  }
0x15: {  	[smem:$0x3FB7] =	sst s0;
	s0 =	simm.s32 @!p2 $0x0  }
0x16: {  	s3 =	sld [smem:$0x3FDB];
	s0 =	simm.s32 @p2 $0x1  }
0x17: {  	s4 =	simm.s32 $0x1BF5;
	[smem:$0x3FB9] =	sst s0  }
0x18: {  	s0 =	sld [smem:$0x3F9C];
	_ =	swait.ge [sflag:s4], $0x0  }
0x19: {  	s7 =	sld [smem:$0x3F9D]  }
0x1a: {  	s8 =	sadd.s32 $0xFFFFE003, lr  }
0x1b: {  	s9 =	sadd.s32 $0xFFFFFEF7, lr;
	s5 =	simm.s32 $0xFFFFFFFF;
	p2 =	slt.u32 s8, $0xFFFFF086  }
0x1c: {  	p1 =	slt.u32 s9, $0xF7A;
	s5 =	simm.s32 @!p2 $0x0  }
0x1d: {  	s5 =	simm.s32 @p1 $0x1;
	p0 =	seq.s32 s7, s2  }
0x1e: {  	s7 =	smul.u32 @!p0 $0xF7A, s2;
	p2 =	seq.s32 @!p0 s5, $0x0  }
0x1f: {  	s9 =	smul.u32 $0xF7A, s1;
	s8 =	simm.s32 @!p0 $0x1BF5;
	p2 =	por !p2, p0  }
0x20: {  	[sflag:s8] =	ssyncset.s32 @!p0 $0xFFFFF086;
	s6 =	sadd.s32 @!p0 s3, s7;
	s7 =	simm.s32 @!p0 $0x108  }
0x21: {  	s3 =	sadd.s32 s3, s9;
	s6 =	sadd.s32 @!p0 $0x88, s6;
	s7 =	simm.s32 @p2 $0x1082  }
0x22: {  	[simem:s7], [sflag:s8] =	dma.local @!p0 [hbm:s6], $0xF7A  }
0x23: {  	s9 =	sor.u32 $0xD0000000, s2;
	s6 =	simm.s32 $0x108;
	_ =	swait.ge @!p0 [sflag:s8], $0x0  }
0x24: {  	s3 =	sadd.s32 $0x88, s3;
	s6 =	simm.s32 @!p1 $0x1082;
	[sflag:s4] =	ssyncset.s32 $0xFFFFF086  }
0x25: {  	[simem:s6], [sflag:s4] =	dma.local [hbm:s3], $0xF7A  }
0x26: {  	[smem:$0x3F9D] =	sst s1;
	(tag) =	ssettag s2;
	_ =	strace s9  }
0x27: {  	s1 =	sld [smem:$0x3FAD]  }
0x28: {  	s2 =	sld [smem:$0x3FAE]  }
0x29: {  	s4 =	sld [smem:$0x3FB0]  }
0x2a: {  	p0 =	seq.s32 s5, $0x0;
	s5 =	sld [smem:$0x3FB1]  }
0x2b: {  	s6 =	sld [smem:$0x3FB2]  }
0x2c: {  	s7 =	sld [smem:$0x3FB3]  }
0x2d: {  	s3 =	simm.s32 $0x108;
	s8 =	sld [smem:$0x3FB4]  }
0x2e: {  	s3 =	simm.s32 @!p0 $0x1082;
	s9 =	sld [smem:$0x3FB5]  }
0x2f: {  	lr =	sadd.s32 s0, s3;
	s0 =	sld [smem:$0x3FAC]  }
0x30: {  	s3 =	sld [smem:$0x3FAF]  }
0x31: {  	[smem:$0x3FB8] =	sst s10  }
0x32: {  	s10 =	sld [smem:$0x3FB6];
	_ =	sdelay $0x3  }
0x33: {  	p0 =	seq.s32 s10, $0x1;
	s10 =	sld [smem:$0x3FB8];
	_ =	sdelay $0x3  }
0x34: {  	[smem:$0x3FB8] =	sst s10  }
0x35: {  	s10 =	sld [smem:$0x3FB7];
	_ =	sdelay $0x3  }
0x36: {  	p1 =	seq.s32 s10, $0x1;
	s10 =	sld [smem:$0x3FB8];
	_ =	sdelay $0x3  }
0x37: {  	[smem:$0x3FB8] =	sst s10  }
0x38: {  	s10 =	sld [smem:$0x3FB9]  }
0x39: {  	_ = 	snop;
	(pc) =	sbr.ind lr, $3  }
0x3a: {  	_ = 	snop  }
0x3b: {  	_ = 	snop  }
0x3c: {  	p2 =	seq.s32 s10, $0x1;
	s10 =	sld [smem:$0x3FB8]  }
0x3d: {  	_ =	shalt  }
0x3e: {  	_ =	shalt  }
0x3f: {  	_ =	shalt  }
0x40: {  	_ =	shalt  }
0x41: {  	_ =	shalt  }
0x42: {  	_ =	shalt  }
0x43: {  	_ =	shalt  }
0x44: {  	_ =	shalt  }
0x45: {  	_ =	shalt  }
0x46: {  	_ =	shalt  }
0x47: {  	_ =	shalt  }
0x48: {  	_ =	shalt  }
0x49: {  	_ =	shalt  }
0x4a: {  	_ =	shalt  }
0x4b: {  	_ =	shalt  }
0x4c: {  	_ =	shalt  }
0x4d: {  	_ =	shalt  }
0x4e: {  	_ =	shalt  }
0x4f: {  	_ =	shalt  }
0x50: {  	_ =	shalt  }
0x51: {  	_ =	shalt  }
0x52: {  	_ =	shalt  }
0x53: {  	_ =	shalt  }
0x54: {  	_ =	shalt  }
0x55: {  	_ =	shalt  }
0x56: {  	_ =	shalt  }
0x57: {  	_ =	shalt  }
0x58: {  	_ =	shalt  }
0x59: {  	_ =	shalt  }
0x5a: {  	_ =	shalt  }
0x5b: {  	_ =	shalt  }
0x5c: {  	_ =	shalt  }
0x5d: {  	_ =	shalt  }
0x5e: {  	_ =	shalt  }
0x5f: {  	_ =	shalt  }
0x60: {  	_ =	shalt  }
0x61: {  	_ =	shalt  }
0x62: {  	_ =	shalt  }
0x63: {  	_ =	shalt  }
0x64: {  	_ =	shalt  }
0x65: {  	_ =	shalt  }
0x66: {  	_ =	shalt  }
0x67: {  	_ =	shalt  }
0x68: {  	_ =	shalt  }
0x69: {  	_ =	shalt  }
0x6a: {  	_ =	shalt  }
0x6b: {  	_ =	shalt  }
0x6c: {  	_ =	shalt  }
0x6d: {  	_ =	shalt  }
0x6e: {  	_ =	shalt  }
0x6f: {  	_ =	shalt  }
0x70: {  	_ =	shalt  }
0x71: {  	_ =	shalt  }
0x72: {  	_ =	shalt  }
0x73: {  	_ =	shalt  }
0x74: {  	_ =	shalt  }
0x75: {  	_ =	shalt  }
0x76: {  	_ =	shalt  }
0x77: {  	_ =	shalt  }
0x78: {  	_ =	shalt  }
0x79: {  	_ =	shalt  }
0x7a: {  	_ =	shalt  }
0x7b: {  	_ =	shalt  }
0x7c: {  	_ =	shalt  }
0x7d: {  	_ =	shalt  }
0x7e: {  	_ =	shalt  }
0x7f: {  	_ =	shalt  }
0x80: {  	_ =	shalt  }
0x81: {  	_ =	shalt  }
0x82: {  	_ =	shalt  }
0x83: {  	_ =	shalt  }
0x84: {  	_ =	shalt  }
0x85: {  	_ =	shalt  }
0x86: {  	_ =	shalt  }
0x87: {  	_ =	shalt  }
.Lfunc_end0:
.L_simem_size_0:
called_computation.1_lowered:
.L_overlay_start_0:
0x88: {  	s2 =	sld [smem:$0x3FD9]  }
0x89: {  	s3 =	sld [smem:$0x3FFE];
	_ =	sdelay $0x1  }
0x8a: {  	s1 =	srdreg.scid  }
0x8b: {  	s0 =	sand.u32 $0x1, s1  }
0x8c: {  	s14 =	sshll.u32 s0, $0xA;
	s2 =	sadd.s32 s3, s2  }
0x8d: {  	s2 =	sadd.s32 s2, s14  }
0x8e: {  	[smem:$0x3FC4] =	sst s2  }
0x8f: {  	_ = 	snop  }
0x90: {  	s2 =	sld [smem:$0x3FD0];
	_ =	sdelay $0x2  }
0x91: {  	s15 =	simm.s32 $0xA;
	s4 =	simm.s32 $0x10  }
0x92: {  	[smem:s4], [sflag:s15] =	dma.local [hbm:s2], $0x1  }
0x93: {  	_ =	swait.eq [sflag:s15], $0x1  }
0x94: {  	[sflag:s15] =	ssyncset.done $0x0  }
0x95: {  	[sflag:s15] =	ssyncadd.s32 $0xFFFFFFFF  }
0x96: {  	s16 =	sld [smem:$0x10];
	(tm) =	ssettm $0x1  }
0x97: {  	s17 =	sld [smem:$0x3FFB];
	_ =	sdelay $0x3  }
0x98: {  	_ =	strace s17  }
0x99: {  	s3 =	sld [smem:$0x3FFC];
	_ =	sdelay $0x3  }
0x9a: {  	_ =	strace s3  }
0x9b: {  	s3 =	sld [smem:$0x3FFD];
	_ =	sdelay $0x3  }
0x9c: {  	_ =	strace s3  }
0x9d: {  	_ =	strace $0x8FFFFFFF  }
0x9e: {  	s18 =	sld [smem:$0x3FDB];
	_ =	sdelay $0x1  }
0x9f: {  	s19 =	simm.s32 $_scs_section_size  }
0xa0: {  	s5 =	simm.s32 $_size__tile_overlayer_lowered;
	s6 =	simm.s32 $_tile_overlayer_lowered  }
0xa1: {  	s22 =	simm.s32 $0x1BFF;
	s21 =	sshll.u32 s6, $0x1;
	s3 =	sadd.s32 s19, s18  }
0xa2: {  	s7 =	simm.s32 $0x0;
	s20 =	sshll.u32 s5, $0x1;
	s5 =	sadd.s32 s21, s3  }
0xa3: {  	[timem:s7], [sflag:s22] =	dma.local [hbm:s5], s20  }
0xa4: {  	_ =	swait.ge [sflag:s22], s20  }
0xa5: {  	s4 =	ssub.s32 $0x0, s20;
	[sflag:s22] =	ssyncset.done $0x0  }
0xa6: {  	[sflag:s22] =	ssyncadd.s32 s4;
	_ =	sdelay $0x1  }
0xa7: {  	s23 =	simm.s32 $0x1B8B  }
0xa8: {  	_ =	swait.ge [sflag:s23], $0x1  }
0xa9: {  	[sflag:s23] =	ssyncset.done $0x0  }
0xaa: {  	s25 =	simm.s32 $0x1B8E;
	s24 =	sld [smem:$0x3FFE];
	[sflag:s23] =	ssyncadd.s32 $0xFFFFFFFF  }
0xab: {  	s26 =	simm.s32 $execute0_lowered;
	[smem:$0x3FD2] =	sst s25  }
0xac: {  	s5 =	sshll.u32 s26, $0x1;
	_ =	strace $0x80000049;
	[dreg:$0x1] =	wrdreg $0xFFFFFFFF  }
0xad: {  	s28 =	simm.s32 $_size_execute0_lowered;
	s3 =	sadd.s32 s3, s5;
	[dreg:$0x0] =	wrdreg $0x0  }
0xae: {  	s5 =	sshll.u32 s28, $0x1;
	[dreg:$0x2] =	wrdreg s3  }
0xaf: {  	[dreg:$0x3] =	wrdreg s5  }
0xb0: {  	[dreg:$0x4] =	wrdreg $0xC0  }
0xb1: {  	_ =	task [dreg:s7], $0x5FFFF  }
0xb2: {  	[dreg:$0x1] =	wrdreg $0xFFFFFFFF  }
0xb3: {  	[dreg:$0x0] =	wrdreg $0x60  }
0xb4: {  	[dreg:$0x2] =	wrdreg s24  }
0xb5: {  	[dreg:$0x3] =	wrdreg s16  }
0xb6: {  	[dreg:$0x4] =	wrdreg $0x128000  }
0xb7: {  	[dreg:$0x5] =	wrdreg $0xD8000  }
0xb8: {  	[dreg:$0x6] =	wrdreg $0x9  }
0xb9: {  	_ =	task.clear_ibuf [dreg:s7], $0x7FFFF;
	_ =	strace $0x90000049  }
0xba: {  	s29 =	simm.s32 $0x9;
	_ =	strace $0x8000004B  }
0xbb: {  	_ =	swait.ge [sflag:s29], $0x1  }
0xbc: {  	[sflag:s29] =	ssyncadd.s32 $0xFFFFFFFF  }
0xbd: {  	_ =	strace $0x9000004B  }
0xbe: {  	_ =	sfence  }
0xbf: {  	s30 =	sld [smem:$0x0];
	_ =	sdelay $0x2  }
0xc0: {  	s31 =	sshll.u32 s1, $0xD;
	s1 =	sshrl.u32 s1, $0x2  }
0xc1: {  	s3 =	sand.u32 $0x4000, s31;
	s1 =	sadd.s32 s1, s30  }
0xc2: {  	s0 =	sor.u32 s3, s0;
	s1 =	sshll.u32 s1, $0x11  }
0xc3: {  	s0 =	sor.u32 s1, s0  }
0xc4: {  	s0 =	sadd.s32 $0x8F2B, s0  }
0xc5: {  	[sflag:s0] =	ssyncadd.remote.s32 $0x1  }
0xc6: {  	_ =	sfence.sel $0xFFFF  }
0xc7: {  	[dreg:$0x0] =	wrdreg $0xFFFFFFFF;
	(pc) =	sbr.abs _section_cstart, $3  }
0xc8: {  	[dreg:$0x1] =	wrdreg $0xFFFFFFFF  }
0xc9: {  	_ =	task.clear_ibuf [dreg:s7], $0x2FFFF;
	_ =	strace $0x9FFFFFFF  }
0xca: {  	(tm) =	ssettm $0x7FFFFFFF  }
0xcb: {  	_ =	shalt  }
tec
execute0_lowered:
.L_overlay_start_1:
0x0: {  	(tag) =	ssettag $0x1  }
0x1: {  	s0 =	rddreg [dreg:$0x0]  }
0x2: {  	s4 =	rddreg [dreg:$0x1]  }
0x3: {  	s1 =	srdreg.scid;
	s2 =	rddreg [dreg:$0x2]  }
0x4: {  	s10 =	stileid.u32;
	s3 =	rddreg [dreg:$0x3];
	s6 =	simm.s32 $0x0  }
0x5: {  	s28 =	simm.s32 $0x5000;
	s29 =	simm.s32 $0x6000;
	s31 =	simm.s32 $0x7000  }
0x6: {  	s30 =	simm.s32 $0x9000;
	s1 =	sand.u32 $0x1, s1;
	s25 =	smul.u32 $0x5000, s10  }
0x7: {  	[smem:$0x7FF] =	sst s6;
	s26 =	smul.u32 $0x14000, s10;
	s6 =	simm.s32 $0xB000  }
0x8: {  	s5 =	sshll.u32 s1, $0x4;
	_ =	strace $0x8000004A;
	s7 =	ssub.s32 $0x2, s1  }
0x9: {  	s1 =	smul.u32 $0x50000, s1;
	s5 =	sor.u32 s10, s5;
	s8 =	sshrl.u32 s25, $0x3  }
0xa: {  	s9 =	sshrl.u32 s7, $0x1;
	s12 =	sadd.s32 s25, s2;
	s5 =	smul.u32 $0x500, s5  }
0xb: {  	s14 =	sadd.s32 s25, s3;
	s7 =	ssub.s32 s7, s9;
	s1 =	sadd.s32 s25, s1  }
0xc: {  	s1 =	sshrl.u32 s1, $0x3;
	s15 =	smax.u32 s7, $0x1;
	s5 =	sadd.s32 s5, s0  }
0xd: {  	s0 =	sadd.s32 s8, s0;
	s13 =	sadd.s32 s4, s1;
	[dreg:$0xa] =	wrdreg s15  }
0xe: {  	s8 =	sshrl.u32 s26, $0x2;
	s26 =	sshrl.u32 s12, $0x3;
	[dreg:$0x9] =	wrdreg s13  }
0xf: {  	s25 =	sshll.u32 s10, $0x6;
	s11 =	sadd.s32 $0xAE00, s5;
	[dreg:$0x14] =	wrdreg s26  }
0x10: {  	s9 =	simm.s32 $0xC000;
	s5 =	sadd.s32 $0xE00, s5;
	[dreg:$0x5] =	wrdreg s11  }
0x11: {  	s10 =	simm.s32 $0x5;
	s0 =	sadd.s32 $0x14E00, s0;
	[dreg:$0x6] =	wrdreg s5  }
0x12: {  	s7 =	simm.s32 $0x4;
	s8 =	sadd.s32 s8, s3;
	[dreg:$0x7] =	wrdreg s0  }
0x13: {  	s1 =	simm.s32 $0x2;
	s16 =	sadd.s32 $0x800, s8;
	[dreg:$0x8] =	wrdreg s8  }
0x14: {  	s4 =	simm.s32 $0xA000;
	s17 =	sadd.s32 $0x1000, s8;
	[dreg:$0xb] =	wrdreg s16  }
0x15: {  	s12 =	simm.s32 $0x8;
	s18 =	sadd.s32 $0x1800, s8;
	[dreg:$0xc] =	wrdreg s17  }
0x16: {  	s15 =	simm.s32 $0xB;
	s19 =	sadd.s32 $0x2000, s8;
	[dreg:$0xd] =	wrdreg s18  }
0x17: {  	s26 =	simm.s32 $0x80;
	s20 =	sadd.s32 $0x2800, s8;
	[dreg:$0xe] =	wrdreg s19  }
0x18: {  	s21 =	sadd.s32 $0x3000, s8;
	s22 =	sadd.s32 $0x3800, s8;
	[dreg:$0xf] =	wrdreg s20  }
0x19: {  	s23 =	sadd.s32 $0x4000, s8;
	s24 =	sadd.s32 $0x4800, s8;
	[dreg:$0x10] =	wrdreg s21  }
.Ltmp0:
0x1a: {  	s0 =	sshrl.u32 s14, $0x3;
	[dreg:$0x11] =	wrdreg s22;
	(pc) =	sbr.rel .LBB2_1-.Ltmp0, $4  }
0x1b: {  	s5 =	simm.s32 $0x3;
	s11 =	simm.s32 $0x7;
	[dreg:$0x12] =	wrdreg s23  }
0x1c: {  	[dreg:$0x13] =	wrdreg s24;
	s20 =	simm.s32 $0x11;
	s22 =	sor.u32 $0x1C11, s25  }
0x1d: {  	s24 =	simm.s32 $0xD000;
	[dreg:$0x15] =	wrdreg s0;
	s0 =	simm.s32 $0x8000  }
0x1e: {  	v0 =	vimm.f32 $0.0e+00;
	s21 =	simm.s32 $0x1;
	s16 =	simm.s32 $0xC;
	s25 =	simm.s32 $0x0  }
.LBB2_6:
0x1f: {  	_ =	swait.ge [sflag:s12], $0x1000  }
0x20: {  	[sflag:s12] =	ssyncset.done $0x0  }
0x21: {  	s8 =	simm.s32 $0x9;
	[sflag:s12] =	ssyncadd.s32 $0xFFFFF000  }
0x22: {  	[spmem:s3] =	stream.indirect.scatter.add.f32 [tilespmem:s9], [sflag:$0x10], $0x20, s17, s26, $0xb8;
	[tilespmem:$0x17800] =	vst v63  }
0x23: {  	_ =	swait.ge [sflag:s8], $0x1000  }
0x24: {  	[sflag:s8] =	ssyncset.done $0x0  }
0x25: {  	s23 =	simm.s32 $0xA;
	[sflag:s8] =	ssyncadd.s32 $0xFFFFF000  }
0x26: {  	_ =	swait.ge [sflag:s23], $0x1000  }
0x27: {  	[sflag:s23] =	ssyncset.done $0x0  }
0x28: {  	[sflag:s23] =	ssyncadd.s32 $0xFFFFF000  }
0x29: {  	_ =	swait.ge [sflag:s15], $0x1000  }
0x2a: {  	[sflag:s15] =	ssyncset.done $0x0  }
0x2b: {  	[sflag:s15] =	ssyncadd.s32 $0xFFFFF000  }
0x2c: {  	_ =	swait.ge [sflag:s16], $0x1000  }
0x2d: {  	[sflag:s16] =	ssyncset.done $0x0  }
0x2e: {  	s13 =	simm.s32 $0xD;
	[sflag:s16] =	ssyncadd.s32 $0xFFFFF000  }
0x2f: {  	_ =	swait.ge [sflag:s13], $0x1000  }
0x30: {  	[sflag:s13] =	ssyncset.done $0x0  }
0x31: {  	s14 =	simm.s32 $0xE;
	[sflag:s13] =	ssyncadd.s32 $0xFFFFF000  }
0x32: {  	_ =	swait.ge [sflag:s14], $0x1000  }
0x33: {  	[sflag:s14] =	ssyncset.done $0x0  }
0x34: {  	s17 =	simm.s32 $0xF;
	[sflag:s14] =	ssyncadd.s32 $0xFFFFF000  }
0x35: {  	_ =	swait.ge [sflag:s17], $0x1000  }
0x36: {  	[sflag:s17] =	ssyncset.done $0x0  }
0x37: {  	s18 =	simm.s32 $0x10;
	[sflag:s17] =	ssyncadd.s32 $0xFFFFF000  }
0x38: {  	_ =	swait.ge [sflag:s18], $0x1000  }
0x39: {  	[sflag:s18] =	ssyncset.done $0x0  }
0x3a: {  	[sflag:s18] =	ssyncadd.s32 $0xFFFFF000  }
0x3b: {  	[bflag:$0x0] =	sbarrier.arrive $0xFFFF  }
0x3c: {  	s19 =	rddreg [dreg:$0x9]  }
0x3d: {  	s13 =	rddreg [dreg:$0x15]  }
0x3e: {  	[hbm:s19], [sflag:s22] =	dma.local [spmem:s13], $0xA00  }
0x3f: {  	_ =	swait.ge [sflag:s20], $0xA00  }
0x40: {  	s25 =	sadd.s32 $0x1, s25;
	s23 =	rddreg [dreg:$0xa]  }
0x41: {  	p0 =	sne.s32 s25, s23  }
.Ltmp1:
0x42: {  	_ = 	snop;
	(pc) =	sbr.rel @!p0 .LBB2_7-.Ltmp1, $3  }
0x43: {  	_ =	sdelay $0x1  }
0x44: {  	[sflag:s20] =	ssyncset.done $0x0  }
0x45: {  	[sflag:s20] =	ssyncadd.s32 $0xFFFFF600  }
.LBB2_1:
0x46: {  	s8 =	simm.s32 $0x0;
	s13 =	rddreg [dreg:$0x5]  }
0x47: {  	[tilespmem:s8], [sflag:$0x11] =	stream.linear.gather [hbm4b:s13+s8], $0x2800, $0x38;
	[tilespmem:$0x17800] =	vst v63  }
0x48: {  	_ =	swait.ge [sflag:s20], $0x2800  }
0x49: {  	[sflag:s20] =	ssyncset.done $0x0  }
0x4a: {  	s14 =	simm.s32 $0x2800;
	s18 =	rddreg [dreg:$0x6];
	[sflag:s20] =	ssyncadd.s32 $0xFFFFD800  }
0x4b: {  	[tilespmem:s14], [sflag:$0x11] =	stream.linear.gather [hbm4b:s18+s8], $0x2800, $0x38;
	[tilespmem:$0x17800] =	vst v63  }
0x4c: {  	_ =	swait.ge [sflag:s20], $0x2800  }
0x4d: {  	[sflag:s20] =	ssyncset.done $0x0;
	s19 =	rddreg [dreg:$0x7]  }
0x4e: {  	s23 =	rddreg [dreg:$0x14];
	[sflag:s20] =	ssyncadd.s32 $0xFFFFD800  }
0x4f: {  	[spmem:s23], [sflag:s22] =	dma.local [hbm:s19], $0xA00  }
0x50: {  	_ =	swait.ge [sflag:s20], $0xA00  }
0x51: {  	[sflag:s20] =	ssyncset.done $0x0  }
0x52: {  	s13 =	simm.s32 $0x0;
	s8 =	simm.s32 $0x80;
	[sflag:s20] =	ssyncadd.s32 $0xFFFFF600  }
.LBB2_2:
0x53: {  	p0 =	sne.s32 s8, $0x1F80;
	[tilespmem:s13+$0xD000] =	vst v0;
	s14 =	smov.u32 s8;
	s8 =	sadd.s32 $0x80, s8  }
.Ltmp2:
0x54: {  	[tilespmem:s13+$0xD010] =	vst v0;
	(pc) =	sbr.rel @p0 .LBB2_2-.Ltmp2, $2  }
0x55: {  	_ =	sdelay $0x2  }
0x56: {  	s13 =	sshra.s32 s14, $0x2  }
0x57: {  	[tilespmem:s13+$0xD000] =	vst v0  }
0x58: {  	[tilespmem:s13+$0xD010] =	vst v0;
	s8 =	rddreg [dreg:$0x8]  }
0x59: {  	[spmem:s8] =	stream.linear.scatter [tilespmem:s24], [sflag:$0x11], $0x800, $0x38;
	[tilespmem:$0x17800] =	vst v63  }
0x5a: {  	_ =	swait.ge [sflag:s20], $0x800  }
0x5b: {  	[sflag:s20] =	ssyncset.done $0x0  }
0x5c: {  	s14 =	rddreg [dreg:$0xb];
	[sflag:s20] =	ssyncadd.s32 $0xFFFFF800  }
0x5d: {  	[spmem:s14] =	stream.linear.scatter [tilespmem:s24], [sflag:$0x11], $0x800, $0x38;
	[tilespmem:$0x17800] =	vst v63  }
0x5e: {  	_ =	swait.ge [sflag:s20], $0x800  }
0x5f: {  	[sflag:s20] =	ssyncset.done $0x0  }
0x60: {  	s17 =	rddreg [dreg:$0xc];
	[sflag:s20] =	ssyncadd.s32 $0xFFFFF800  }
0x61: {  	[spmem:s17] =	stream.linear.scatter [tilespmem:s24], [sflag:$0x11], $0x800, $0x38;
	[tilespmem:$0x17800] =	vst v63  }
0x62: {  	_ =	swait.ge [sflag:s20], $0x800  }
0x63: {  	[sflag:s20] =	ssyncset.done $0x0  }
0x64: {  	s18 =	rddreg [dreg:$0xd];
	[sflag:s20] =	ssyncadd.s32 $0xFFFFF800  }
0x65: {  	[spmem:s18] =	stream.linear.scatter [tilespmem:s24], [sflag:$0x11], $0x800, $0x38;
	[tilespmem:$0x17800] =	vst v63  }
0x66: {  	_ =	swait.ge [sflag:s20], $0x800  }
0x67: {  	[sflag:s20] =	ssyncset.done $0x0  }
0x68: {  	s19 =	rddreg [dreg:$0xe];
	[sflag:s20] =	ssyncadd.s32 $0xFFFFF800  }
0x69: {  	[spmem:s19] =	stream.linear.scatter [tilespmem:s24], [sflag:$0x11], $0x800, $0x38;
	[tilespmem:$0x17800] =	vst v63  }
0x6a: {  	_ =	swait.ge [sflag:s20], $0x800  }
0x6b: {  	[sflag:s20] =	ssyncset.done $0x0  }
0x6c: {  	s23 =	rddreg [dreg:$0xf];
	[sflag:s20] =	ssyncadd.s32 $0xFFFFF800  }
0x6d: {  	[spmem:s23] =	stream.linear.scatter [tilespmem:s24], [sflag:$0x11], $0x800, $0x38;
	[tilespmem:$0x17800] =	vst v63  }
0x6e: {  	_ =	swait.ge [sflag:s20], $0x800  }
0x6f: {  	[sflag:s20] =	ssyncset.done $0x0  }
0x70: {  	s13 =	rddreg [dreg:$0x10];
	[sflag:s20] =	ssyncadd.s32 $0xFFFFF800  }
0x71: {  	[spmem:s13] =	stream.linear.scatter [tilespmem:s24], [sflag:$0x11], $0x800, $0x38;
	[tilespmem:$0x17800] =	vst v63  }
0x72: {  	_ =	swait.ge [sflag:s20], $0x800  }
0x73: {  	[sflag:s20] =	ssyncset.done $0x0  }
0x74: {  	s14 =	rddreg [dreg:$0x11];
	[sflag:s20] =	ssyncadd.s32 $0xFFFFF800  }
0x75: {  	[spmem:s14] =	stream.linear.scatter [tilespmem:s24], [sflag:$0x11], $0x800, $0x38;
	[tilespmem:$0x17800] =	vst v63  }
0x76: {  	_ =	swait.ge [sflag:s20], $0x800  }
0x77: {  	[sflag:s20] =	ssyncset.done $0x0  }
0x78: {  	s17 =	rddreg [dreg:$0x12];
	[sflag:s20] =	ssyncadd.s32 $0xFFFFF800  }
0x79: {  	[spmem:s17] =	stream.linear.scatter [tilespmem:s24], [sflag:$0x11], $0x800, $0x38;
	[tilespmem:$0x17800] =	vst v63  }
0x7a: {  	_ =	swait.ge [sflag:s20], $0x800  }
0x7b: {  	[sflag:s20] =	ssyncset.done $0x0  }
0x7c: {  	s18 =	rddreg [dreg:$0x13];
	[sflag:s20] =	ssyncadd.s32 $0xFFFFF800  }
0x7d: {  	[spmem:s18] =	stream.linear.scatter [tilespmem:s24], [sflag:$0x11], $0x800, $0x38;
	[tilespmem:$0x17800] =	vst v63  }
0x7e: {  	_ =	swait.ge [sflag:s20], $0x800  }
0x7f: {  	[sflag:s20] =	ssyncset.done $0x0  }
0x80: {  	[sflag:s20] =	ssyncadd.s32 $0xFFFFF800  }
0x81: {  	s8 =	simm.s32 $0x0;
	[bflag:$0x0] =	sbarrier.arrive $0xFFFF  }
0x82: {  	[tilespmem:s28], [sflag:$0x1] =	stream.indirect.gather [spmem:s2], $0x20, s8, s26, $0xb8;
	[tilespmem:$0x17800] =	vst v63  }
0x83: {  	_ = 	snop  }
0x84: {  	[tilespmem:s29], [sflag:$0x2] =	stream.indirect.gather [spmem:s2], $0x20, s26, s26, $0xb8;
	[tilespmem:$0x17800] =	vst v63  }
0x85: {  	s19 =	simm.s32 $0x100  }
0x86: {  	[tilespmem:s31], [sflag:$0x3] =	stream.indirect.gather [spmem:s2], $0x20, s19, s26, $0xb8;
	[tilespmem:$0x17800] =	vst v63  }
0x87: {  	s23 =	simm.s32 $0x180;
	s13 =	simm.s32 $0xFFFFFFF8  }
0x88: {  	[tilespmem:s0], [sflag:$0x4] =	stream.indirect.gather [spmem:s2], $0x20, s23, s26, $0xb8;
	[tilespmem:$0x17800] =	vst v63  }
.LBB2_4:
0x89: {  	_ =	swait.ge [sflag:s21], $0x1000  }
0x8a: {  	s14 =	sshra.s32 s8, $0x2;
	[sflag:s21] =	ssyncset.done $0x0  }
0x8b: {  	p0 =	sgt.u32 s13, $0x47;
	s17 =	sadd.s32 $0x2800, s14;
	[sflag:s21] =	ssyncadd.s32 $0xFFFFF000  }
0x8c: {  	[spmem:s3] =	stream.indirect.scatter.add.f32 [tilespmem:s28], [sflag:$0x9], $0x20, s17, s26, $0xb8;
	[tilespmem:$0x17800] =	vst v63  }
0x8d: {  	s17 =	simm.s32 @!p0 $0xD  }
0x8e: {  	_ =	swait.ge @!p0 [sflag:s17], $0x1000  }
0x8f: {  	[sflag:s17] =	ssyncset.done @!p0 $0x0  }
0x90: {  	s18 =	sadd.s32 $0x200, s14;
	[sflag:s17] =	ssyncadd.s32 @!p0 $0xFFFFF000  }
0x91: {  	[tilespmem:s30], [sflag:$0x5] =	stream.indirect.gather [spmem:s2], $0x20, s18, s26, $0xb8;
	[tilespmem:$0x17800] =	vst v63  }
0x92: {  	_ =	swait.ge [sflag:s1], $0x1000  }
0x93: {  	[sflag:s1] =	ssyncset.done $0x0  }
0x94: {  	s19 =	sadd.s32 $0x2880, s14;
	s17 =	simm.s32 @!p0 $0xE;
	[sflag:s1] =	ssyncadd.s32 $0xFFFFF000  }
0x95: {  	[spmem:s3] =	stream.indirect.scatter.add.f32 [tilespmem:s29], [sflag:$0xA], $0x20, s19, s26, $0xb8;
	[tilespmem:$0x17800] =	vst v63  }
0x96: {  	_ =	swait.ge @!p0 [sflag:s17], $0x1000  }
0x97: {  	[sflag:s17] =	ssyncset.done @!p0 $0x0  }
0x98: {  	s23 =	sadd.s32 $0x280, s14;
	[sflag:s17] =	ssyncadd.s32 @!p0 $0xFFFFF000  }
0x99: {  	[tilespmem:s4], [sflag:$0x6] =	stream.indirect.gather [spmem:s2], $0x20, s23, s26, $0xb8;
	[tilespmem:$0x17800] =	vst v63  }
0x9a: {  	_ =	swait.ge [sflag:s5], $0x1000  }
0x9b: {  	[sflag:s5] =	ssyncset.done $0x0  }
0x9c: {  	s18 =	sadd.s32 $0x2900, s14;
	s17 =	simm.s32 @!p0 $0xF;
	[sflag:s5] =	ssyncadd.s32 $0xFFFFF000  }
0x9d: {  	[spmem:s3] =	stream.indirect.scatter.add.f32 [tilespmem:s31], [sflag:$0xB], $0x20, s18, s26, $0xb8;
	[tilespmem:$0x17800] =	vst v63  }
0x9e: {  	_ =	swait.ge @!p0 [sflag:s17], $0x1000  }
0x9f: {  	[sflag:s17] =	ssyncset.done @!p0 $0x0  }
0xa0: {  	s19 =	sadd.s32 $0x300, s14;
	[sflag:s17] =	ssyncadd.s32 @!p0 $0xFFFFF000  }
0xa1: {  	[tilespmem:s6], [sflag:$0x7] =	stream.indirect.gather [spmem:s2], $0x20, s19, s26, $0xb8;
	[tilespmem:$0x17800] =	vst v63  }
0xa2: {  	_ =	swait.ge [sflag:s7], $0x1000  }
0xa3: {  	p0 =	seq.s32 s8, $0x0;
	[sflag:s7] =	ssyncset.done $0x0  }
0xa4: {  	s23 =	sadd.s32 $0x2980, s14;
	s17 =	simm.s32 @!p0 $0x10;
	[sflag:s7] =	ssyncadd.s32 $0xFFFFF000  }
0xa5: {  	[spmem:s3] =	stream.indirect.scatter.add.f32 [tilespmem:s0], [sflag:$0xC], $0x20, s23, s26, $0xb8;
	[tilespmem:$0x17800] =	vst v63  }
0xa6: {  	_ =	swait.ge @!p0 [sflag:s17], $0x1000  }
0xa7: {  	[sflag:s17] =	ssyncset.done @!p0 $0x0  }
0xa8: {  	s18 =	sadd.s32 $0x380, s14;
	[sflag:s17] =	ssyncadd.s32 @!p0 $0xFFFFF000  }
0xa9: {  	[tilespmem:s9], [sflag:$0x8] =	stream.indirect.gather [spmem:s2], $0x20, s18, s26, $0xb8;
	[tilespmem:$0x17800] =	vst v63  }
0xaa: {  	_ =	swait.ge [sflag:s10], $0x1000  }
0xab: {  	p0 =	seq.s32 s8, $0x9000;
	[sflag:s10] =	ssyncset.done $0x0  }
0xac: {  	s19 =	sadd.s32 $0x2A00, s14;
	s17 =	simm.s32 @p0 $0x6;
	[sflag:s10] =	ssyncadd.s32 $0xFFFFF000  }
0xad: {  	[spmem:s3] =	stream.indirect.scatter.add.f32 [tilespmem:s30], [sflag:$0xD], $0x20, s19, s26, $0xb8;
	[tilespmem:$0x17800] =	vst v63  }
0xae: {  	_ =	swait.ge @p0 [sflag:s17], $0x1000  }
0xaf: {  	[sflag:s17] =	ssyncset.done @p0 $0x0  }
0xb0: {  	[sflag:s17] =	ssyncadd.s32 @p0 $0xFFFFF000;
	s17 =	sshra.s32 @p0 s8, $0x2  }
0xb1: {  	s18 =	simm.s32 @p0 $0x80;
	s19 =	simm.s32 @p0 $0xA000;
	s17 =	sadd.s32 @p0 $0x2A80, s17  }
0xb2: {  	[spmem:s3] =	stream.indirect.scatter.add.f32 @p0 [tilespmem:s19], [sflag:$0xE], $0x20, s17, s18, $0xb8;
	[tilespmem:$0x17800] =	vst v63  }
0xb3: {  	s17 =	simm.s32 @!p0 $0x9  }
0xb4: {  	_ =	swait.ge @!p0 [sflag:s17], $0x1000  }
0xb5: {  	[sflag:s17] =	ssyncset.done @!p0 $0x0  }
0xb6: {  	[sflag:s17] =	ssyncadd.s32 @!p0 $0xFFFFF000;
	s17 =	sshra.s32 @!p0 s8, $0x2  }
0xb7: {  	s23 =	simm.s32 @!p0 $0x5000;
	s19 =	simm.s32 @!p0 $0x80;
	s18 =	sadd.s32 @!p0 $0x400, s17  }
0xb8: {  	[tilespmem:s23], [sflag:$0x1] =	stream.indirect.gather @!p0 [spmem:s2], $0x20, s18, s19, $0xb8;
	[tilespmem:$0x17800] =	vst v63  }
0xb9: {  	s18 =	simm.s32 @!p0 $0x6  }
0xba: {  	_ =	swait.ge @!p0 [sflag:s18], $0x1000  }
0xbb: {  	[sflag:s18] =	ssyncset.done @!p0 $0x0  }
0xbc: {  	s23 =	simm.s32 @!p0 $0xA000;
	[sflag:s18] =	ssyncadd.s32 @!p0 $0xFFFFF000;
	s18 =	sadd.s32 @!p0 $0x2A80, s17  }
0xbd: {  	[spmem:s3] =	stream.indirect.scatter.add.f32 @!p0 [tilespmem:s23], [sflag:$0xE], $0x20, s18, s19, $0xb8;
	[tilespmem:$0x17800] =	vst v63  }
0xbe: {  	s18 =	simm.s32 @!p0 $0xA  }
0xbf: {  	_ =	swait.ge @!p0 [sflag:s18], $0x1000  }
0xc0: {  	[sflag:s18] =	ssyncset.done @!p0 $0x0  }
0xc1: {  	s17 =	sadd.s32 @!p0 $0x480, s17;
	[sflag:s18] =	ssyncadd.s32 @!p0 $0xFFFFF000;
	s18 =	simm.s32 @!p0 $0x6000  }
0xc2: {  	[tilespmem:s18], [sflag:$0x2] =	stream.indirect.gather @!p0 [spmem:s2], $0x20, s17, s19, $0xb8;
	[tilespmem:$0x17800] =	vst v63  }
.Ltmp3:
0xc3: {  	_ = 	snop;
	(pc) =	sbr.rel @p0 .LBB2_6-.Ltmp3, $4  }
0xc4: {  	_ =	swait.ge [sflag:s11], $0x1000  }
0xc5: {  	[sflag:s11] =	ssyncset.done $0x0  }
0xc6: {  	s23 =	sadd.s32 $0x2B00, s14;
	s17 =	sadd.s32 $0x2B80, s14;
	[sflag:s11] =	ssyncadd.s32 $0xFFFFF000  }
0xc7: {  	[spmem:s3] =	stream.indirect.scatter.add.f32 [tilespmem:s6], [sflag:$0xF], $0x20, s23, s26, $0xb8;
	[tilespmem:$0x17800] =	vst v63  }
0xc8: {  	_ =	swait.ge [sflag:s15], $0x1000  }
0xc9: {  	[sflag:s15] =	ssyncset.done $0x0  }
0xca: {  	s18 =	sadd.s32 $0x500, s14;
	[sflag:s15] =	ssyncadd.s32 $0xFFFFF000  }
0xcb: {  	[tilespmem:s31], [sflag:$0x3] =	stream.indirect.gather [spmem:s2], $0x20, s18, s26, $0xb8;
	[tilespmem:$0x17800] =	vst v63  }
0xcc: {  	_ =	swait.ge [sflag:s12], $0x1000  }
0xcd: {  	[sflag:s12] =	ssyncset.done $0x0  }
0xce: {  	[sflag:s12] =	ssyncadd.s32 $0xFFFFF000  }
0xcf: {  	[spmem:s3] =	stream.indirect.scatter.add.f32 [tilespmem:s9], [sflag:$0x10], $0x20, s17, s26, $0xb8;
	[tilespmem:$0x17800] =	vst v63  }
.Ltmp4:
0xd0: {  	_ = 	snop;
	(pc) =	sbr.rel .LBB2_4-.Ltmp4, $4  }
0xd1: {  	_ =	swait.ge [sflag:s16], $0x1000  }
0xd2: {  	s23 =	sadd.s32 $0x580, s14;
	[sflag:s16] =	ssyncset.done $0x0  }
0xd3: {  	s13 =	sadd.s32 $0x8, s13;
	s8 =	sadd.s32 $0x1000, s8;
	[sflag:s16] =	ssyncadd.s32 $0xFFFFF000  }
0xd4: {  	[tilespmem:s0], [sflag:$0x4] =	stream.indirect.gather [spmem:s2], $0x20, s23, s26, $0xb8;
	[tilespmem:$0x17800] =	vst v63  }
.LBB2_7:
0xd5: {  	_ =	sfence.sel $0x180000  }
0xd6: {  	[bflag:$0x0] =	sbarrier.arrive $0xFFFF  }
0xd7: {  	_ =	strace $0x9000004A  }
0xd8: {  	s0 =	stileid.u32;
	[bflag:$0x2] =	sbarrier.arrive $0xFFFF  }
0xd9: {  	p0 =	sne.s32 s0, $0x0;
	s0 =	rddreg [dreg:$0x4]  }
0xda: {  	s0 =	sadd.s32 @!p0 $0x100000, s0  }
0xdb: {  	[sflag:s0] =	ssyncadd.tile.s32 @!p0 $0x1;
	_ =	shalt  }
.Lfunc_end2:
_tile_overlayer_lowered:
.L_overlay_start_2:
0xdc: {  	(tag) =	ssettag $0x2  }
0xdd: {  	s0 =	rddreg [dreg:$0x0];
	s2 =	stileid.u32  }
0xde: {  	s1 =	rddreg [dreg:$0x1];
	p0 =	sne.s32 s2, $0x0  }
0xdf: {  	s3 =	rddreg [dreg:$0x2];
	[bflag:$0x3] =	sbarrier.arrive $0xFFFF;
	s2 =	simm.s32 @!p0 $0x1C11  }
0xe0: {  	[timem:s3], [sflag:s2] =	dma.local @!p0 [hbm:s0], s1  }
0xe1: {  	s0 =	simm.s32 @!p0 $0x11  }
0xe2: {  	_ =	swait.ge @!p0 [sflag:s0], s1  }
0xe3: {  	s1 =	ssub.s32 @!p0 $0x0, s1;
	[sflag:s0] =	ssyncset.done @!p0 $0x0  }
0xe4: {  	[sflag:s0] =	ssyncadd.s32 @!p0 s1  }
0xe5: {  	[bflag:$0x3] =	sbarrier.arrive $0xFFFF  }
0xe6: {  	_ =	shalt  }

</sc_bundles>
